<compile_context>
chip_gen: v7x
topology: tpu7x:2x2x1
jax: 0.10.2.dev20260603
libtpu: 0.0.44.dev20260713+nightly
codegen_flags: <defaults>
</compile_context>

<pallas_src>
import functools

import jax
import jax.numpy as jnp
from jax import lax
from jax.experimental import pallas as pl
from jax.experimental.pallas import tpu as pltpu
from jax.experimental.pallas import tpu_sc as plsc

N = 10000
E = 160000
F = 16
NC = 2
NS = 16
NW = NC * NS
CH = 128
NCH = 5120 // CH
EP = NW * NCH * CH
NP = 10112
RPT = NP // NS

_f32 = jnp.float32


def _fill_rows(ref, n, val):
    @pl.loop(0, n)
    def _(i):
        ref[i, :] = jnp.full((16,), val, _f32)


def _sc_mesh():
    return plsc.VectorSubcoreMesh(core_axis_name="c", subcore_axis_name="s")


_SC_PARAMS = pltpu.CompilerParams(use_tc_tiling_on_sc=False)



def _sc_degree(dst_flat):

    @functools.partial(
        pl.kernel,
        out_type=jax.ShapeDtypeStruct((NC, NP, F), _f32),
        mesh=_sc_mesh(),
        compiler_params=_SC_PARAMS,
        scratch_types=[
            pltpu.VMEM_SHARED((NP, F), _f32),
            pltpu.VMEM((CH,), jnp.int32),
            pltpu.VMEM((CH, F), _f32),
            pltpu.VMEM((RPT, F), _f32),
        ],
    )
    def k(dst_hbm, out_hbm, acc_sh, dstb, ones_b, stage):
        c = lax.axis_index("c")
        s = lax.axis_index("s")
        w = c * NS + s
        rows = pl.ds(s * RPT, RPT)

        _fill_rows(stage, RPT, 0.0)
        pltpu.sync_copy(stage, acc_sh.at[rows])
        _fill_rows(ones_b, CH, 1.0)
        plsc.subcore_barrier()

        @pl.loop(0, NCH)
        def _(jj):
            base = (w * NCH + jj) * CH
            pltpu.sync_copy(dst_hbm.at[pl.ds(base, CH)], dstb)
            pltpu.sync_copy(ones_b, acc_sh.at[dstb], add=True)

        plsc.subcore_barrier()
        pltpu.sync_copy(acc_sh.at[rows], stage)
        pltpu.sync_copy(stage, out_hbm.at[c, rows])

    return k(dst_flat)


def _sc_prop(table, src_flat, dst_flat):

    @functools.partial(
        pl.kernel,
        out_type=jax.ShapeDtypeStruct((NC, NP, F), _f32),
        mesh=_sc_mesh(),
        compiler_params=_SC_PARAMS,
        scratch_types=[
            pltpu.VMEM_SHARED((NP, F), _f32),
            pltpu.VMEM((NCH * CH,), jnp.int32),
            pltpu.VMEM((CH,), jnp.int32),
            pltpu.VMEM((CH, F), _f32),
            pltpu.VMEM((RPT, F), _f32),
            pltpu.SemaphoreType.DMA,
        ],
    )
    def k(tab_hbm, src_hbm, dst_hbm, out_hbm,
          acc_sh, srcb, dstb, rows_b, stage, sem):
        c = lax.axis_index("c")
        s = lax.axis_index("s")
        w = c * NS + s
        rows = pl.ds(s * RPT, RPT)

        _fill_rows(stage, RPT, 0.0)
        pltpu.sync_copy(stage, acc_sh.at[rows])
        pltpu.sync_copy(src_hbm.at[pl.ds(w * NCH * CH, NCH * CH)], srcb)
        plsc.subcore_barrier()

        @pl.loop(0, NCH)
        def _(jj):
            base = (w * NCH + jj) * CH
            pltpu.sync_copy(dst_hbm.at[pl.ds(base, CH)], dstb)
            pltpu.async_copy(
                tab_hbm.at[srcb.at[pl.ds(jj * CH, CH)]], rows_b, sem
            ).wait()
            pltpu.sync_copy(rows_b, acc_sh.at[dstb], add=True)

        plsc.subcore_barrier()
        pltpu.sync_copy(acc_sh.at[rows], stage)
        pltpu.sync_copy(stage, out_hbm.at[c, rows])

    return k(table, src_flat, dst_flat)



_BM = 1000


def _tc_first(x, W1, degp):

    def body(x_ref, w_ref, d_ref, t_ref, q_ref):
        dp = d_ref[0] + d_ref[1] + 1.0
        q = lax.rsqrt(dp)
        t = jnp.dot(x_ref[...], w_ref[...], preferred_element_type=_f32)
        t_ref[...] = q * t
        q_ref[...] = q

    return pl.pallas_call(
        body,
        grid=(N // _BM,),
        in_specs=[
            pl.BlockSpec((_BM, 640), lambda i: (i, 0)),
            pl.BlockSpec((640, F), lambda i: (0, 0)),
            pl.BlockSpec((NC, _BM, F), lambda i: (0, i, 0)),
        ],
        out_specs=[
            pl.BlockSpec((_BM, F), lambda i: (i, 0)),
            pl.BlockSpec((_BM, F), lambda i: (i, 0)),
        ],
        out_shape=[
            jax.ShapeDtypeStruct((N, F), _f32),
            jax.ShapeDtypeStruct((N, F), _f32),
        ],
    )(x, W1, degp)


def _tc_mid1(zp, t1s, q16, b1, W2):

    def body(z_ref, t_ref, q_ref, b_ref, w_ref, o_ref):
        q = q_ref[...]
        z = z_ref[0] + z_ref[1] + t_ref[...]
        a = jnp.maximum(q * z + b_ref[...], 0.0)
        o_ref[...] = jnp.dot(q * a, w_ref[...], preferred_element_type=_f32)

    return pl.pallas_call(
        body,
        grid=(N // _BM,),
        in_specs=[
            pl.BlockSpec((NC, _BM, F), lambda i: (0, i, 0)),
            pl.BlockSpec((_BM, F), lambda i: (i, 0)),
            pl.BlockSpec((_BM, F), lambda i: (i, 0)),
            pl.BlockSpec((1, F), lambda i: (0, 0)),
            pl.BlockSpec((F, F), lambda i: (0, 0)),
        ],
        out_specs=pl.BlockSpec((_BM, F), lambda i: (i, 0)),
        out_shape=jax.ShapeDtypeStruct((N, F), _f32),
    )(zp, t1s, q16, b1, W2)


def _tc_mid2(zp, t2s, q16, b2):

    def body(z_ref, t_ref, q_ref, b_ref, o_ref):
        q = q_ref[...]
        z = z_ref[0] + z_ref[1] + t_ref[...]
        o_ref[...] = q * jnp.maximum(q * z + b_ref[...], 0.0)

    return pl.pallas_call(
        body,
        grid=(N // _BM,),
        in_specs=[
            pl.BlockSpec((NC, _BM, F), lambda i: (0, i, 0)),
            pl.BlockSpec((_BM, F), lambda i: (i, 0)),
            pl.BlockSpec((_BM, F), lambda i: (i, 0)),
            pl.BlockSpec((1, F), lambda i: (0, 0)),
        ],
        out_specs=pl.BlockSpec((_BM, F), lambda i: (i, 0)),
        out_shape=jax.ShapeDtypeStruct((N, F), _f32),
    )(zp, t2s, q16, b2)


def _tc_last(zp, s3, q16, W3, b3):

    def body(z_ref, s_ref, q_ref, w_ref, b_ref, o_ref):
        p = q_ref[...] * (z_ref[0] + z_ref[1] + s_ref[...])
        o_ref[...] = (
            jnp.dot(p, w_ref[...], preferred_element_type=_f32) + b_ref[...]
        )

    return pl.pallas_call(
        body,
        grid=(N // _BM,),
        in_specs=[
            pl.BlockSpec((NC, _BM, F), lambda i: (0, i, 0)),
            pl.BlockSpec((_BM, F), lambda i: (i, 0)),
            pl.BlockSpec((_BM, F), lambda i: (i, 0)),
            pl.BlockSpec((F, 640), lambda i: (0, 0)),
            pl.BlockSpec((1, 640), lambda i: (0, 0)),
        ],
        out_specs=pl.BlockSpec((_BM, 640), lambda i: (i, 0)),
        out_shape=jax.ShapeDtypeStruct((N, 640), _f32),
    )(zp, s3, q16, W3, b3)



def _pad_table(t):
    return jnp.pad(t, ((0, NP - N), (0, 0)))


def kernel(x, edges, W1, b1, W2, b2, W3, b3):
    src = edges[:, 0]
    dst = edges[:, 1]
    dummy = (N + (jnp.arange(EP - E, dtype=jnp.int32) % NS)).astype(jnp.int32)
    src_p = jnp.concatenate([src, dummy])
    dst_p = jnp.concatenate([dst, dummy])

    b1r = b1.reshape(1, F)
    b2r = b2.reshape(1, F)
    b3r = b3.reshape(1, 640)

    degp = _sc_degree(dst_p)[:, :N]
    t1s, q16 = _tc_first(x, W1, degp)

    z1p = _sc_prop(_pad_table(t1s), src_p, dst_p)[:, :N]
    t2s = _tc_mid1(z1p, t1s, q16, b1r, W2)

    z2p = _sc_prop(_pad_table(t2s), src_p, dst_p)[:, :N]
    s3 = _tc_mid2(z2p, t2s, q16, b2r)

    z3p = _sc_prop(_pad_table(s3), src_p, dst_p)[:, :N]
    out = _tc_last(z3p, s3, q16, W3, b3r)
    return out

# --- scband reference (transcript-rebuilt; emitter-appended) ---
"""Pipeline reference for scband-gnn-32203664785441 (READ-ONLY COPY).

The authoritative reference and input builder live on the scoring server;
editing this copy changes nothing except your own understanding.
"""

import jax, jax.numpy as jnp
import numpy as np

N_NODES = 10000
N_EDGES = 160000


def gcn_conv(x, src, dst, W, b, n_nodes):
    # PyG GCNConv: symmetric normalization with self-loops (already appended by caller)
    deg = jax.ops.segment_sum(jnp.ones_like(dst, dtype=x.dtype), dst, num_segments=n_nodes)
    deg_inv_sqrt = jnp.where(deg > 0, jax.lax.rsqrt(deg), 0.0)
    norm = deg_inv_sqrt[src] * deg_inv_sqrt[dst]
    h = x @ W
    msg = jnp.take(h, src, axis=0) * norm[:, None]
    out = jax.ops.segment_sum(msg, dst, num_segments=n_nodes)
    return out + b


def setup_inputs(seed: int = 0) -> dict:
    key = jax.random.key(seed)
    ks = jax.random.split(key, 8)
    x = jax.random.normal(ks[0], (N_NODES, 640), dtype=jnp.float32)
    edges = jax.random.randint(ks[1], (N_EDGES, 2), 0, N_NODES, dtype=jnp.int32)
    W1 = jax.random.normal(ks[2], (640, 16), dtype=jnp.float32) * (1.0 / np.sqrt(640.0))
    b1 = jnp.zeros((16,), dtype=jnp.float32)
    W2 = jax.random.normal(ks[3], (16, 16), dtype=jnp.float32) * (1.0 / np.sqrt(16.0))
    b2 = jnp.zeros((16,), dtype=jnp.float32)
    W3 = jax.random.normal(ks[4], (16, 640), dtype=jnp.float32) * (1.0 / np.sqrt(16.0))
    b3 = jnp.zeros((640,), dtype=jnp.float32)
    return {"x": x, "edges": edges, "W1": W1, "b1": b1, "W2": W2, "b2": b2, "W3": W3, "b3": b3}


def reference(x, edges, W1, b1, W2, b2, W3, b3):
    # forward does edges.T -> [2, E]; row 0 = src, row 1 = dst
    ei = edges.T
    loop = jnp.arange(N_NODES, dtype=ei.dtype)
    src = jnp.concatenate([ei[0], loop])
    dst = jnp.concatenate([ei[1], loop])
    h = jax.nn.relu(gcn_conv(x, src, dst, W1, b1, N_NODES))
    h = jax.nn.relu(gcn_conv(h, src, dst, W2, b2, N_NODES))
    out = gcn_conv(h, src, dst, W3, b3, N_NODES)
    return out

if __name__ == "__main__":
    import jax
    _d = setup_inputs()
    print(jax.jit(kernel)(*tuple(_d.values())))

</pallas_src>

<mosaic_0001>
#map = affine_map<(d0, d1) -> (0, 0)>
#map1 = affine_map<(d0, d1) -> (0)>
#map2 = affine_map<(d0, d1) -> (0, 0, 0)>
module attributes {stable_mosaic.version = 14 : i64} {
  func.func @k(%arg0: i32, %arg1: i32, %arg2: memref<10112x16xf32, #tpu.memory_space<hbm>>, %arg3: memref<163840xi32, #tpu.memory_space<hbm>>, %arg4: memref<163840xi32, #tpu.memory_space<hbm>>, %arg5: memref<2x10112x16xf32, #tpu.memory_space<hbm>>, %arg6: memref<10112x16xf32, #tpu.memory_space<vmem_shared>>, %arg7: memref<5120xi32, #tpu.memory_space<vmem>>, %arg8: memref<128xi32, #tpu.memory_space<vmem>>, %arg9: memref<128x16xf32, #tpu.memory_space<vmem>>, %arg10: memref<632x16xf32, #tpu.memory_space<vmem>>, %arg11: memref<!tpu.dma_semaphore, #tpu.memory_space<semaphore_mem>>) attributes {dimension_semantics = [#tpu.dimension_semantics<core_parallel>, #tpu.dimension_semantics<subcore_parallel>], iteration_bounds = array<i64: 2, 16>, scalar_prefetch = 0 : i64, scratch_operands = 6 : i64, tpu.core_type = #tpu.core_type<sc_vector_subcore>, window_params = [{transform_indices = #map}, {transform_indices = #map1}, {transform_indices = #map1}, {transform_indices = #map2}]} {
    %mul3A = arith.constant 16 : i32
    %mul3A_0 = arith.muli %arg0, %mul3A : i32
    %add3A = arith.addi %mul3A_0, %arg1 : i32
    %mul3A_1 = arith.constant 632 : i32
    %mul3A_2 = arith.muli %arg1, %mul3A_1 : i32
    %scan3A = arith.constant 0 : i32
    %scan3A_3 = arith.constant 632 : i32
    %scan3A_4 = arith.addi %scan3A, %scan3A_3 : i32
    %scan3A_5 = arith.constant 1 : i32
    scf.for %scan3A_17 = %scan3A to %scan3A_4 step %scan3A_5  : i32 {
      %mul3A_18 = arith.constant 1 : i32
      %mul3A_19 = arith.muli %scan3A_17, %mul3A_18 : i32
      %add3A_20 = arith.constant 0 : i32
      %add3A_21 = arith.addi %add3A_20, %mul3A_19 : i32
      %broadcast_in_dim3A = arith.constant 0.000000e+00 : f32
      %broadcast_in_dim3A_22 = vector.broadcast %broadcast_in_dim3A : f32 to vector<16xf32>
      %swap3A = arith.index_cast %add3A_21 : i32 to index
      %swap3A_23 = arith.constant 0 : index
      %swap3A_24 = tpu.vector_load %arg10[%swap3A, %swap3A_23] {strides = array<i32>} : memref<632x16xf32, #tpu.memory_space<vmem>>, vector<1x16xf32>,
      %swap3A_25 = vector.shape_cast %swap3A_24 : vector<1x16xf32> to vector<16xf32>
      %swap3A_26 = vector.shape_cast %broadcast_in_dim3A_22 : vector<16xf32> to vector<1x16xf32>
      tpu.vector_store %arg10[%swap3A, %swap3A_23], %swap3A_26 {strides = array<i32>} : memref<632x16xf32, #tpu.memory_space<vmem>>, vector<1x16xf32>,
    }
    %scan3A_6 = arith.constant 632 : i32
    "tpu.region"() ({
      %run_scoped3A = tpu.sem_alloc : memref<!tpu.dma_semaphore, #tpu.memory_space<semaphore_mem>>
      %dma_start3A = arith.constant 0 : i32
      %dma_start3A_17 = tpu.memref_slice %arg6[%mul3A_2, %dma_start3A] : memref<10112x16xf32, #tpu.memory_space<vmem_shared>> -> memref<632x16xf32, #tpu.memory_space<vmem_shared>>
      %dma_start3A_18 = arith.constant 0 : i32
      %dma_start3A_19 = tpu.memref_slice %arg6[%mul3A_2, %dma_start3A_18] : memref<10112x16xf32, #tpu.memory_space<vmem_shared>> -> memref<632x16xf32, #tpu.memory_space<vmem_shared>>
      tpu.enqueue_dma source(%arg10 : memref<632x16xf32, #tpu.memory_space<vmem>>) target(%dma_start3A_19 : memref<632x16xf32, #tpu.memory_space<vmem_shared>>) target_semaphore(%run_scoped3A : memref<!tpu.dma_semaphore, #tpu.memory_space<semaphore_mem>>)
      %dma_wait3A = arith.constant 0 : i32
      %dma_wait3A_20 = tpu.memref_slice %arg6[%mul3A_2, %dma_wait3A] : memref<10112x16xf32, #tpu.memory_space<vmem_shared>> -> memref<632x16xf32, #tpu.memory_space<vmem_shared>>
      %dma_wait3A_21 = arith.constant 0 : i32
      %dma_wait3A_22 = tpu.memref_slice %arg6[%mul3A_2, %dma_wait3A_21] : memref<10112x16xf32, #tpu.memory_space<vmem_shared>> -> memref<632x16xf32, #tpu.memory_space<vmem_shared>>
      tpu.wait_dma2 semaphore(%run_scoped3A : memref<!tpu.dma_semaphore, #tpu.memory_space<semaphore_mem>>) src(%arg10 : memref<632x16xf32, #tpu.memory_space<vmem>>) dst(%dma_wait3A_22 : memref<632x16xf32, #tpu.memory_space<vmem_shared>>)
      tpu.yield
    }) : () -> ()
    %mul3A_7 = arith.constant 40 : i32
    %mul3A_8 = arith.muli %add3A, %mul3A_7 : i32
    %mul3A_9 = arith.constant 128 : i32
    %mul3A_10 = arith.muli %mul3A_8, %mul3A_9 : i32
    "tpu.region"() ({
      %run_scoped3A = tpu.sem_alloc : memref<!tpu.dma_semaphore, #tpu.memory_space<semaphore_mem>>
      %dma_start3A = tpu.memref_slice %arg3[%mul3A_10] : memref<163840xi32, #tpu.memory_space<hbm>> -> memref<5120xi32, #tpu.memory_space<hbm>>
      %dma_start3A_17 = tpu.memref_slice %arg3[%mul3A_10] : memref<163840xi32, #tpu.memory_space<hbm>> -> memref<5120xi32, #tpu.memory_space<hbm>>
      tpu.enqueue_dma source(%dma_start3A_17 : memref<5120xi32, #tpu.memory_space<hbm>>) target(%arg7 : memref<5120xi32, #tpu.memory_space<vmem>>) target_semaphore(%run_scoped3A : memref<!tpu.dma_semaphore, #tpu.memory_space<semaphore_mem>>)
      %dma_wait3A = tpu.memref_slice %arg3[%mul3A_10] : memref<163840xi32, #tpu.memory_space<hbm>> -> memref<5120xi32, #tpu.memory_space<hbm>>
      %dma_wait3A_18 = tpu.memref_slice %arg3[%mul3A_10] : memref<163840xi32, #tpu.memory_space<hbm>> -> memref<5120xi32, #tpu.memory_space<hbm>>
      tpu.wait_dma2 semaphore(%run_scoped3A : memref<!tpu.dma_semaphore, #tpu.memory_space<semaphore_mem>>) src(%dma_wait3A_18 : memref<5120xi32, #tpu.memory_space<hbm>>) dst(%arg7 : memref<5120xi32, #tpu.memory_space<vmem>>)
      tpu.yield
    }) : () -> ()
    %barrier3A = arith.constant 0 : index
    tpu.barrier barrier_id(%barrier3A)
    %scan3A_11 = arith.constant 0 : i32
    %scan3A_12 = arith.constant 40 : i32
    %scan3A_13 = arith.addi %scan3A_11, %scan3A_12 : i32
    %scan3A_14 = arith.constant 1 : i32
    scf.for %scan3A_17 = %scan3A_11 to %scan3A_13 step %scan3A_14  : i32 {
      %mul3A_18 = arith.constant 1 : i32
      %mul3A_19 = arith.muli %scan3A_17, %mul3A_18 : i32
      %add3A_20 = arith.constant 0 : i32
      %add3A_21 = arith.addi %add3A_20, %mul3A_19 : i32
      %mul3A_22 = arith.constant 40 : i32
      %mul3A_23 = arith.muli %add3A, %mul3A_22 : i32
      %add3A_24 = arith.addi %mul3A_23, %add3A_21 : i32
      %mul3A_25 = arith.constant 128 : i32
      %mul3A_26 = arith.muli %add3A_24, %mul3A_25 : i32
      "tpu.region"() ({
        %run_scoped3A = tpu.sem_alloc : memref<!tpu.dma_semaphore, #tpu.memory_space<semaphore_mem>>
        %dma_start3A_35 = tpu.memref_slice %arg4[%mul3A_26] : memref<163840xi32, #tpu.memory_space<hbm>> -> memref<128xi32, #tpu.memory_space<hbm>>
        %dma_start3A_36 = tpu.memref_slice %arg4[%mul3A_26] : memref<163840xi32, #tpu.memory_space<hbm>> -> memref<128xi32, #tpu.memory_space<hbm>>
        tpu.enqueue_dma source(%dma_start3A_36 : memref<128xi32, #tpu.memory_space<hbm>>) target(%arg8 : memref<128xi32, #tpu.memory_space<vmem>>) target_semaphore(%run_scoped3A : memref<!tpu.dma_semaphore, #tpu.memory_space<semaphore_mem>>)
        %dma_wait3A_37 = tpu.memref_slice %arg4[%mul3A_26] : memref<163840xi32, #tpu.memory_space<hbm>> -> memref<128xi32, #tpu.memory_space<hbm>>
        %dma_wait3A_38 = tpu.memref_slice %arg4[%mul3A_26] : memref<163840xi32, #tpu.memory_space<hbm>> -> memref<128xi32, #tpu.memory_space<hbm>>
        tpu.wait_dma2 semaphore(%run_scoped3A : memref<!tpu.dma_semaphore, #tpu.memory_space<semaphore_mem>>) src(%dma_wait3A_38 : memref<128xi32, #tpu.memory_space<hbm>>) dst(%arg8 : memref<128xi32, #tpu.memory_space<vmem>>)
        tpu.yield
      }) : () -> ()
      %mul3A_27 = arith.constant 128 : i32
      %mul3A_28 = arith.muli %add3A_21, %mul3A_27 : i32
      %dma_start3A = tpu.memref_slice %arg7[%mul3A_28] : memref<5120xi32, #tpu.memory_space<vmem>> -> memref<128xi32, #tpu.memory_space<vmem>>
      %dma_start3A_29 = arith.constant 0 : i32
      %dma_start3A_30 = arith.constant 0 : i32
      %dma_start3A_31 = tpu.memref_slice %arg2[%dma_start3A_29, %dma_start3A_30] : memref<10112x16xf32, #tpu.memory_space<hbm>> -> memref<10112x16xf32, #tpu.memory_space<hbm>>
      tpu.enqueue_indirect_dma source(%dma_start3A_31 : memref<10112x16xf32, #tpu.memory_space<hbm>>) target(%arg9 : memref<128x16xf32, #tpu.memory_space<vmem>>) offsets(%dma_start3A : memref<128xi32, #tpu.memory_space<vmem>>) semaphore(%arg11 : memref<!tpu.dma_semaphore, #tpu.memory_space<semaphore_mem>>)
      %dma_wait3A = tpu.memref_slice %arg7[%mul3A_28] : memref<5120xi32, #tpu.memory_space<vmem>> -> memref<128xi32, #tpu.memory_space<vmem>>
      %dma_wait3A_32 = arith.constant 0 : i32
      %dma_wait3A_33 = arith.constant 0 : i32
      %dma_wait3A_34 = tpu.memref_slice %arg2[%dma_wait3A_32, %dma_wait3A_33] : memref<10112x16xf32, #tpu.memory_space<hbm>> -> memref<10112x16xf32, #tpu.memory_space<hbm>>
      tpu.wait_indirect_dma semaphore(%arg11 : memref<!tpu.dma_semaphore, #tpu.memory_space<semaphore_mem>>) src(%dma_wait3A_34 : memref<10112x16xf32, #tpu.memory_space<hbm>>) dst(%arg9 : memref<128x16xf32, #tpu.memory_space<vmem>>)
      "tpu.region"() ({
        %run_scoped3A = tpu.sem_alloc : memref<!tpu.dma_semaphore, #tpu.memory_space<semaphore_mem>>
        %dma_start3A_35 = arith.constant 0 : i32
        %dma_start3A_36 = arith.constant 0 : i32
        %dma_start3A_37 = tpu.memref_slice %arg6[%dma_start3A_35, %dma_start3A_36] : memref<10112x16xf32, #tpu.memory_space<vmem_shared>> -> memref<10112x16xf32, #tpu.memory_space<vmem_shared>>
        tpu.enqueue_indirect_dma source(%arg9 : memref<128x16xf32, #tpu.memory_space<vmem>>) target(%dma_start3A_37 : memref<10112x16xf32, #tpu.memory_space<vmem_shared>>) offsets(%arg8 : memref<128xi32, #tpu.memory_space<vmem>>) semaphore(%run_scoped3A : memref<!tpu.dma_semaphore, #tpu.memory_space<semaphore_mem>>) {add = true}
        %dma_wait3A_38 = arith.constant 0 : i32
        %dma_wait3A_39 = arith.constant 0 : i32
        %dma_wait3A_40 = tpu.memref_slice %arg6[%dma_wait3A_38, %dma_wait3A_39] : memref<10112x16xf32, #tpu.memory_space<vmem_shared>> -> memref<10112x16xf32, #tpu.memory_space<vmem_shared>>
        tpu.wait_indirect_dma semaphore(%run_scoped3A : memref<!tpu.dma_semaphore, #tpu.memory_space<semaphore_mem>>) src(%arg9 : memref<128x16xf32, #tpu.memory_space<vmem>>) dst(%dma_wait3A_40 : memref<10112x16xf32, #tpu.memory_space<vmem_shared>>)
        tpu.yield
      }) : () -> ()
    }
    %scan3A_15 = arith.constant 40 : i32
    %barrier3A_16 = arith.constant 0 : index
    tpu.barrier barrier_id(%barrier3A_16)
    "tpu.region"() ({
      %run_scoped3A = tpu.sem_alloc : memref<!tpu.dma_semaphore, #tpu.memory_space<semaphore_mem>>
      %dma_start3A = arith.constant 0 : i32
      %dma_start3A_17 = tpu.memref_slice %arg6[%mul3A_2, %dma_start3A] : memref<10112x16xf32, #tpu.memory_space<vmem_shared>> -> memref<632x16xf32, #tpu.memory_space<vmem_shared>>
      %dma_start3A_18 = arith.constant 0 : i32
      %dma_start3A_19 = tpu.memref_slice %arg6[%mul3A_2, %dma_start3A_18] : memref<10112x16xf32, #tpu.memory_space<vmem_shared>> -> memref<632x16xf32, #tpu.memory_space<vmem_shared>>
      tpu.enqueue_dma source(%dma_start3A_19 : memref<632x16xf32, #tpu.memory_space<vmem_shared>>) target(%arg10 : memref<632x16xf32, #tpu.memory_space<vmem>>) target_semaphore(%run_scoped3A : memref<!tpu.dma_semaphore, #tpu.memory_space<semaphore_mem>>)
      %dma_wait3A = arith.constant 0 : i32
      %dma_wait3A_20 = tpu.memref_slice %arg6[%mul3A_2, %dma_wait3A] : memref<10112x16xf32, #tpu.memory_space<vmem_shared>> -> memref<632x16xf32, #tpu.memory_space<vmem_shared>>
      %dma_wait3A_21 = arith.constant 0 : i32
      %dma_wait3A_22 = tpu.memref_slice %arg6[%mul3A_2, %dma_wait3A_21] : memref<10112x16xf32, #tpu.memory_space<vmem_shared>> -> memref<632x16xf32, #tpu.memory_space<vmem_shared>>
      tpu.wait_dma2 semaphore(%run_scoped3A : memref<!tpu.dma_semaphore, #tpu.memory_space<semaphore_mem>>) src(%dma_wait3A_22 : memref<632x16xf32, #tpu.memory_space<vmem_shared>>) dst(%arg10 : memref<632x16xf32, #tpu.memory_space<vmem>>)
      tpu.yield
    }) : () -> ()
    "tpu.region"() ({
      %run_scoped3A = tpu.sem_alloc : memref<!tpu.dma_semaphore, #tpu.memory_space<semaphore_mem>>
      %dma_start3A = arith.constant 0 : i32
      %dma_start3A_17 = tpu.memref_slice %arg5[%arg0, %mul3A_2, %dma_start3A] : memref<2x10112x16xf32, #tpu.memory_space<hbm>> -> memref<1x632x16xf32, #tpu.memory_space<hbm>>
      %dma_start3A_18 = tpu.memref_squeeze %dma_start3A_17 : memref<1x632x16xf32, #tpu.memory_space<hbm>> -> memref<632x16xf32, #tpu.memory_space<hbm>>
      %dma_start3A_19 = arith.constant 0 : i32
      %dma_start3A_20 = tpu.memref_slice %arg5[%arg0, %mul3A_2, %dma_start3A_19] : memref<2x10112x16xf32, #tpu.memory_space<hbm>> -> memref<1x632x16xf32, #tpu.memory_space<hbm>>
      %dma_start3A_21 = tpu.memref_squeeze %dma_start3A_20 : memref<1x632x16xf32, #tpu.memory_space<hbm>> -> memref<632x16xf32, #tpu.memory_space<hbm>>
      tpu.enqueue_dma source(%arg10 : memref<632x16xf32, #tpu.memory_space<vmem>>) target(%dma_start3A_21 : memref<632x16xf32, #tpu.memory_space<hbm>>) target_semaphore(%run_scoped3A : memref<!tpu.dma_semaphore, #tpu.memory_space<semaphore_mem>>)
      %dma_wait3A = arith.constant 0 : i32
      %dma_wait3A_22 = tpu.memref_slice %arg5[%arg0, %mul3A_2, %dma_wait3A] : memref<2x10112x16xf32, #tpu.memory_space<hbm>> -> memref<1x632x16xf32, #tpu.memory_space<hbm>>
      %dma_wait3A_23 = tpu.memref_squeeze %dma_wait3A_22 : memref<1x632x16xf32, #tpu.memory_space<hbm>> -> memref<632x16xf32, #tpu.memory_space<hbm>>
      %dma_wait3A_24 = arith.constant 0 : i32
      %dma_wait3A_25 = tpu.memref_slice %arg5[%arg0, %mul3A_2, %dma_wait3A_24] : memref<2x10112x16xf32, #tpu.memory_space<hbm>> -> memref<1x632x16xf32, #tpu.memory_space<hbm>>
      %dma_wait3A_26 = tpu.memref_squeeze %dma_wait3A_25 : memref<1x632x16xf32, #tpu.memory_space<hbm>> -> memref<632x16xf32, #tpu.memory_space<hbm>>
      tpu.wait_dma2 semaphore(%run_scoped3A : memref<!tpu.dma_semaphore, #tpu.memory_space<semaphore_mem>>) src(%arg10 : memref<632x16xf32, #tpu.memory_space<vmem>>) dst(%dma_wait3A_26 : memref<632x16xf32, #tpu.memory_space<hbm>>)
      tpu.yield
    }) : () -> ()
    return
  }
}

#map = affine_map<(d0, d1) -> (0, 0)>
#map1 = affine_map<(d0, d1) -> (0)>
#map2 = affine_map<(d0, d1) -> (0, 0, 0)>
module attributes {stable_mosaic.version = 14 : i64} {
  func.func @k(%arg0: i32, %arg1: i32, %arg2: memref<10112x16xf32, #tpu.memory_space<hbm>>, %arg3: memref<163840xi32, #tpu.memory_space<hbm>>, %arg4: memref<163840xi32, #tpu.memory_space<hbm>>, %arg5: memref<2x10112x16xf32, #tpu.memory_space<hbm>>, %arg6: memref<10112x16xf32, #tpu.memory_space<vmem_shared>>, %arg7: memref<5120xi32, #tpu.memory_space<vmem>>, %arg8: memref<128xi32, #tpu.memory_space<vmem>>, %arg9: memref<128x16xf32, #tpu.memory_space<vmem>>, %arg10: memref<632x16xf32, #tpu.memory_space<vmem>>, %arg11: memref<!tpu.dma_semaphore, #tpu.memory_space<semaphore_mem>>) attributes {dimension_semantics = [#tpu.dimension_semantics<core_parallel>, #tpu.dimension_semantics<subcore_parallel>], iteration_bounds = array<i64: 2, 16>, scalar_prefetch = 0 : i64, scratch_operands = 6 : i64, tpu.core_type = #tpu.core_type<sc_vector_subcore>, window_params = [{transform_indices = #map}, {transform_indices = #map1}, {transform_indices = #map1}, {transform_indices = #map2}]} {
    %mul3A = arith.constant 16 : i32
    %mul3A_0 = arith.muli %arg0, %mul3A : i32
    %add3A = arith.addi %mul3A_0, %arg1 : i32
    %mul3A_1 = arith.constant 632 : i32
    %mul3A_2 = arith.muli %arg1, %mul3A_1 : i32
    %scan3A = arith.constant 0 : i32
    %scan3A_3 = arith.constant 632 : i32
    %scan3A_4 = arith.addi %scan3A, %scan3A_3 : i32
    %scan3A_5 = arith.constant 1 : i32
    scf.for %scan3A_17 = %scan3A to %scan3A_4 step %scan3A_5  : i32 {
      %mul3A_18 = arith.constant 1 : i32
      %mul3A_19 = arith.muli %scan3A_17, %mul3A_18 : i32
      %add3A_20 = arith.constant 0 : i32
      %add3A_21 = arith.addi %add3A_20, %mul3A_19 : i32
      %broadcast_in_dim3A = arith.constant 0.000000e+00 : f32
      %broadcast_in_dim3A_22 = vector.broadcast %broadcast_in_dim3A : f32 to vector<16xf32>
      %swap3A = arith.index_cast %add3A_21 : i32 to index
      %swap3A_23 = arith.constant 0 : index
      %swap3A_24 = tpu.vector_load %arg10[%swap3A, %swap3A_23] {strides = array<i32>} : memref<632x16xf32, #tpu.memory_space<vmem>>, vector<1x16xf32>,
      %swap3A_25 = vector.shape_cast %swap3A_24 : vector<1x16xf32> to vector<16xf32>
      %swap3A_26 = vector.shape_cast %broadcast_in_dim3A_22 : vector<16xf32> to vector<1x16xf32>
      tpu.vector_store %arg10[%swap3A, %swap3A_23], %swap3A_26 {strides = array<i32>} : memref<632x16xf32, #tpu.memory_space<vmem>>, vector<1x16xf32>,
    }
    %scan3A_6 = arith.constant 632 : i32
    "tpu.region"() ({
      %run_scoped3A = tpu.sem_alloc : memref<!tpu.dma_semaphore, #tpu.memory_space<semaphore_mem>>
      %dma_start3A = arith.constant 0 : i32
      %dma_start3A_17 = tpu.memref_slice %arg6[%mul3A_2, %dma_start3A] : memref<10112x16xf32, #tpu.memory_space<vmem_shared>> -> memref<632x16xf32, #tpu.memory_space<vmem_shared>>
      %dma_start3A_18 = arith.constant 0 : i32
      %dma_start3A_19 = tpu.memref_slice %arg6[%mul3A_2, %dma_start3A_18] : memref<10112x16xf32, #tpu.memory_space<vmem_shared>> -> memref<632x16xf32, #tpu.memory_space<vmem_shared>>
      tpu.enqueue_dma source(%arg10 : memref<632x16xf32, #tpu.memory_space<vmem>>) target(%dma_start3A_19 : memref<632x16xf32, #tpu.memory_space<vmem_shared>>) target_semaphore(%run_scoped3A : memref<!tpu.dma_semaphore, #tpu.memory_space<semaphore_mem>>)
      %dma_wait3A = arith.constant 0 : i32
      %dma_wait3A_20 = tpu.memref_slice %arg6[%mul3A_2, %dma_wait3A] : memref<10112x16xf32, #tpu.memory_space<vmem_shared>> -> memref<632x16xf32, #tpu.memory_space<vmem_shared>>
      %dma_wait3A_21 = arith.constant 0 : i32
      %dma_wait3A_22 = tpu.memref_slice %arg6[%mul3A_2, %dma_wait3A_21] : memref<10112x16xf32, #tpu.memory_space<vmem_shared>> -> memref<632x16xf32, #tpu.memory_space<vmem_shared>>
      tpu.wait_dma2 semaphore(%run_scoped3A : memref<!tpu.dma_semaphore, #tpu.memory_space<semaphore_mem>>) src(%arg10 : memref<632x16xf32, #tpu.memory_space<vmem>>) dst(%dma_wait3A_22 : memref<632x16xf32, #tpu.memory_space<vmem_shared>>)
      tpu.yield
    }) : () -> ()
    %mul3A_7 = arith.constant 40 : i32
    %mul3A_8 = arith.muli %add3A, %mul3A_7 : i32
    %mul3A_9 = arith.constant 128 : i32
    %mul3A_10 = arith.muli %mul3A_8, %mul3A_9 : i32
    "tpu.region"() ({
      %run_scoped3A = tpu.sem_alloc : memref<!tpu.dma_semaphore, #tpu.memory_space<semaphore_mem>>
      %dma_start3A = tpu.memref_slice %arg3[%mul3A_10] : memref<163840xi32, #tpu.memory_space<hbm>> -> memref<5120xi32, #tpu.memory_space<hbm>>
      %dma_start3A_17 = tpu.memref_slice %arg3[%mul3A_10] : memref<163840xi32, #tpu.memory_space<hbm>> -> memref<5120xi32, #tpu.memory_space<hbm>>
      tpu.enqueue_dma source(%dma_start3A_17 : memref<5120xi32, #tpu.memory_space<hbm>>) target(%arg7 : memref<5120xi32, #tpu.memory_space<vmem>>) target_semaphore(%run_scoped3A : memref<!tpu.dma_semaphore, #tpu.memory_space<semaphore_mem>>)
      %dma_wait3A = tpu.memref_slice %arg3[%mul3A_10] : memref<163840xi32, #tpu.memory_space<hbm>> -> memref<5120xi32, #tpu.memory_space<hbm>>
      %dma_wait3A_18 = tpu.memref_slice %arg3[%mul3A_10] : memref<163840xi32, #tpu.memory_space<hbm>> -> memref<5120xi32, #tpu.memory_space<hbm>>
      tpu.wait_dma2 semaphore(%run_scoped3A : memref<!tpu.dma_semaphore, #tpu.memory_space<semaphore_mem>>) src(%dma_wait3A_18 : memref<5120xi32, #tpu.memory_space<hbm>>) dst(%arg7 : memref<5120xi32, #tpu.memory_space<vmem>>)
      tpu.yield
    }) : () -> ()
    %barrier3A = arith.constant 0 : index
    tpu.barrier barrier_id(%barrier3A)
    %scan3A_11 = arith.constant 0 : i32
    %scan3A_12 = arith.constant 40 : i32
    %scan3A_13 = arith.addi %scan3A_11, %scan3A_12 : i32
    %scan3A_14 = arith.constant 1 : i32
    scf.for %scan3A_17 = %scan3A_11 to %scan3A_13 step %scan3A_14  : i32 {
      %mul3A_18 = arith.constant 1 : i32
      %mul3A_19 = arith.muli %scan3A_17, %mul3A_18 : i32
      %add3A_20 = arith.constant 0 : i32
      %add3A_21 = arith.addi %add3A_20, %mul3A_19 : i32
      %mul3A_22 = arith.constant 40 : i32
      %mul3A_23 = arith.muli %add3A, %mul3A_22 : i32
      %add3A_24 = arith.addi %mul3A_23, %add3A_21 : i32
      %mul3A_25 = arith.constant 128 : i32
      %mul3A_26 = arith.muli %add3A_24, %mul3A_25 : i32
      "tpu.region"() ({
        %run_scoped3A = tpu.sem_alloc : memref<!tpu.dma_semaphore, #tpu.memory_space<semaphore_mem>>
        %dma_start3A_35 = tpu.memref_slice %arg4[%mul3A_26] : memref<163840xi32, #tpu.memory_space<hbm>> -> memref<128xi32, #tpu.memory_space<hbm>>
        %dma_start3A_36 = tpu.memref_slice %arg4[%mul3A_26] : memref<163840xi32, #tpu.memory_space<hbm>> -> memref<128xi32, #tpu.memory_space<hbm>>
        tpu.enqueue_dma source(%dma_start3A_36 : memref<128xi32, #tpu.memory_space<hbm>>) target(%arg8 : memref<128xi32, #tpu.memory_space<vmem>>) target_semaphore(%run_scoped3A : memref<!tpu.dma_semaphore, #tpu.memory_space<semaphore_mem>>)
        %dma_wait3A_37 = tpu.memref_slice %arg4[%mul3A_26] : memref<163840xi32, #tpu.memory_space<hbm>> -> memref<128xi32, #tpu.memory_space<hbm>>
        %dma_wait3A_38 = tpu.memref_slice %arg4[%mul3A_26] : memref<163840xi32, #tpu.memory_space<hbm>> -> memref<128xi32, #tpu.memory_space<hbm>>
        tpu.wait_dma2 semaphore(%run_scoped3A : memref<!tpu.dma_semaphore, #tpu.memory_space<semaphore_mem>>) src(%dma_wait3A_38 : memref<128xi32, #tpu.memory_space<hbm>>) dst(%arg8 : memref<128xi32, #tpu.memory_space<vmem>>)
        tpu.yield
      }) : () -> ()
      %mul3A_27 = arith.constant 128 : i32
      %mul3A_28 = arith.muli %add3A_21, %mul3A_27 : i32
      %dma_start3A = tpu.memref_slice %arg7[%mul3A_28] : memref<5120xi32, #tpu.memory_space<vmem>> -> memref<128xi32, #tpu.memory_space<vmem>>
      %dma_start3A_29 = arith.constant 0 : i32
      %dma_start3A_30 = arith.constant 0 : i32
      %dma_start3A_31 = tpu.memref_slice %arg2[%dma_start3A_29, %dma_start3A_30] : memref<10112x16xf32, #tpu.memory_space<hbm>> -> memref<10112x16xf32, #tpu.memory_space<hbm>>
      tpu.enqueue_indirect_dma source(%dma_start3A_31 : memref<10112x16xf32, #tpu.memory_space<hbm>>) target(%arg9 : memref<128x16xf32, #tpu.memory_space<vmem>>) offsets(%dma_start3A : memref<128xi32, #tpu.memory_space<vmem>>) semaphore(%arg11 : memref<!tpu.dma_semaphore, #tpu.memory_space<semaphore_mem>>)
      %dma_wait3A = tpu.memref_slice %arg7[%mul3A_28] : memref<5120xi32, #tpu.memory_space<vmem>> -> memref<128xi32, #tpu.memory_space<vmem>>
      %dma_wait3A_32 = arith.constant 0 : i32
      %dma_wait3A_33 = arith.constant 0 : i32
      %dma_wait3A_34 = tpu.memref_slice %arg2[%dma_wait3A_32, %dma_wait3A_33] : memref<10112x16xf32, #tpu.memory_space<hbm>> -> memref<10112x16xf32, #tpu.memory_space<hbm>>
      tpu.wait_indirect_dma semaphore(%arg11 : memref<!tpu.dma_semaphore, #tpu.memory_space<semaphore_mem>>) src(%dma_wait3A_34 : memref<10112x16xf32, #tpu.memory_space<hbm>>) dst(%arg9 : memref<128x16xf32, #tpu.memory_space<vmem>>)
      "tpu.region"() ({
        %run_scoped3A = tpu.sem_alloc : memref<!tpu.dma_semaphore, #tpu.memory_space<semaphore_mem>>
        %dma_start3A_35 = arith.constant 0 : i32
        %dma_start3A_36 = arith.constant 0 : i32
        %dma_start3A_37 = tpu.memref_slice %arg6[%dma_start3A_35, %dma_start3A_36] : memref<10112x16xf32, #tpu.memory_space<vmem_shared>> -> memref<10112x16xf32, #tpu.memory_space<vmem_shared>>
        tpu.enqueue_indirect_dma source(%arg9 : memref<128x16xf32, #tpu.memory_space<vmem>>) target(%dma_start3A_37 : memref<10112x16xf32, #tpu.memory_space<vmem_shared>>) offsets(%arg8 : memref<128xi32, #tpu.memory_space<vmem>>) semaphore(%run_scoped3A : memref<!tpu.dma_semaphore, #tpu.memory_space<semaphore_mem>>) {add = true}
        %dma_wait3A_38 = arith.constant 0 : i32
        %dma_wait3A_39 = arith.constant 0 : i32
        %dma_wait3A_40 = tpu.memref_slice %arg6[%dma_wait3A_38, %dma_wait3A_39] : memref<10112x16xf32, #tpu.memory_space<vmem_shared>> -> memref<10112x16xf32, #tpu.memory_space<vmem_shared>>
        tpu.wait_indirect_dma semaphore(%run_scoped3A : memref<!tpu.dma_semaphore, #tpu.memory_space<semaphore_mem>>) src(%arg9 : memref<128x16xf32, #tpu.memory_space<vmem>>) dst(%dma_wait3A_40 : memref<10112x16xf32, #tpu.memory_space<vmem_shared>>)
        tpu.yield
      }) : () -> ()
    }
    %scan3A_15 = arith.constant 40 : i32
    %barrier3A_16 = arith.constant 0 : index
    tpu.barrier barrier_id(%barrier3A_16)
    "tpu.region"() ({
      %run_scoped3A = tpu.sem_alloc : memref<!tpu.dma_semaphore, #tpu.memory_space<semaphore_mem>>
      %dma_start3A = arith.constant 0 : i32
      %dma_start3A_17 = tpu.memref_slice %arg6[%mul3A_2, %dma_start3A] : memref<10112x16xf32, #tpu.memory_space<vmem_shared>> -> memref<632x16xf32, #tpu.memory_space<vmem_shared>>
      %dma_start3A_18 = arith.constant 0 : i32
      %dma_start3A_19 = tpu.memref_slice %arg6[%mul3A_2, %dma_start3A_18] : memref<10112x16xf32, #tpu.memory_space<vmem_shared>> -> memref<632x16xf32, #tpu.memory_space<vmem_shared>>
      tpu.enqueue_dma source(%dma_start3A_19 : memref<632x16xf32, #tpu.memory_space<vmem_shared>>) target(%arg10 : memref<632x16xf32, #tpu.memory_space<vmem>>) target_semaphore(%run_scoped3A : memref<!tpu.dma_semaphore, #tpu.memory_space<semaphore_mem>>)
      %dma_wait3A = arith.constant 0 : i32
      %dma_wait3A_20 = tpu.memref_slice %arg6[%mul3A_2, %dma_wait3A] : memref<10112x16xf32, #tpu.memory_space<vmem_shared>> -> memref<632x16xf32, #tpu.memory_space<vmem_shared>>
      %dma_wait3A_21 = arith.constant 0 : i32
      %dma_wait3A_22 = tpu.memref_slice %arg6[%mul3A_2, %dma_wait3A_21] : memref<10112x16xf32, #tpu.memory_space<vmem_shared>> -> memref<632x16xf32, #tpu.memory_space<vmem_shared>>
      tpu.wait_dma2 semaphore(%run_scoped3A : memref<!tpu.dma_semaphore, #tpu.memory_space<semaphore_mem>>) src(%dma_wait3A_22 : memref<632x16xf32, #tpu.memory_space<vmem_shared>>) dst(%arg10 : memref<632x16xf32, #tpu.memory_space<vmem>>)
      tpu.yield
    }) : () -> ()
    "tpu.region"() ({
      %run_scoped3A = tpu.sem_alloc : memref<!tpu.dma_semaphore, #tpu.memory_space<semaphore_mem>>
      %dma_start3A = arith.constant 0 : i32
      %dma_start3A_17 = tpu.memref_slice %arg5[%arg0, %mul3A_2, %dma_start3A] : memref<2x10112x16xf32, #tpu.memory_space<hbm>> -> memref<1x632x16xf32, #tpu.memory_space<hbm>>
      %dma_start3A_18 = tpu.memref_squeeze %dma_start3A_17 : memref<1x632x16xf32, #tpu.memory_space<hbm>> -> memref<632x16xf32, #tpu.memory_space<hbm>>
      %dma_start3A_19 = arith.constant 0 : i32
      %dma_start3A_20 = tpu.memref_slice %arg5[%arg0, %mul3A_2, %dma_start3A_19] : memref<2x10112x16xf32, #tpu.memory_space<hbm>> -> memref<1x632x16xf32, #tpu.memory_space<hbm>>
      %dma_start3A_21 = tpu.memref_squeeze %dma_start3A_20 : memref<1x632x16xf32, #tpu.memory_space<hbm>> -> memref<632x16xf32, #tpu.memory_space<hbm>>
      tpu.enqueue_dma source(%arg10 : memref<632x16xf32, #tpu.memory_space<vmem>>) target(%dma_start3A_21 : memref<632x16xf32, #tpu.memory_space<hbm>>) target_semaphore(%run_scoped3A : memref<!tpu.dma_semaphore, #tpu.memory_space<semaphore_mem>>)
      %dma_wait3A = arith.constant 0 : i32
      %dma_wait3A_22 = tpu.memref_slice %arg5[%arg0, %mul3A_2, %dma_wait3A] : memref<2x10112x16xf32, #tpu.memory_space<hbm>> -> memref<1x632x16xf32, #tpu.memory_space<hbm>>
      %dma_wait3A_23 = tpu.memref_squeeze %dma_wait3A_22 : memref<1x632x16xf32, #tpu.memory_space<hbm>> -> memref<632x16xf32, #tpu.memory_space<hbm>>
      %dma_wait3A_24 = arith.constant 0 : i32
      %dma_wait3A_25 = tpu.memref_slice %arg5[%arg0, %mul3A_2, %dma_wait3A_24] : memref<2x10112x16xf32, #tpu.memory_space<hbm>> -> memref<1x632x16xf32, #tpu.memory_space<hbm>>
      %dma_wait3A_26 = tpu.memref_squeeze %dma_wait3A_25 : memref<1x632x16xf32, #tpu.memory_space<hbm>> -> memref<632x16xf32, #tpu.memory_space<hbm>>
      tpu.wait_dma2 semaphore(%run_scoped3A : memref<!tpu.dma_semaphore, #tpu.memory_space<semaphore_mem>>) src(%arg10 : memref<632x16xf32, #tpu.memory_space<vmem>>) dst(%dma_wait3A_26 : memref<632x16xf32, #tpu.memory_space<hbm>>)
      tpu.yield
    }) : () -> ()
    return
  }
}

#map = affine_map<(d0, d1) -> (0)>
#map1 = affine_map<(d0, d1) -> (0, 0, 0)>
module attributes {stable_mosaic.version = 14 : i64} {
  func.func @k(%arg0: i32, %arg1: i32, %arg2: memref<163840xi32, #tpu.memory_space<hbm>>, %arg3: memref<2x10112x16xf32, #tpu.memory_space<hbm>>, %arg4: memref<10112x16xf32, #tpu.memory_space<vmem_shared>>, %arg5: memref<128xi32, #tpu.memory_space<vmem>>, %arg6: memref<128x16xf32, #tpu.memory_space<vmem>>, %arg7: memref<632x16xf32, #tpu.memory_space<vmem>>) attributes {dimension_semantics = [#tpu.dimension_semantics<core_parallel>, #tpu.dimension_semantics<subcore_parallel>], iteration_bounds = array<i64: 2, 16>, scalar_prefetch = 0 : i64, scratch_operands = 4 : i64, tpu.core_type = #tpu.core_type<sc_vector_subcore>, window_params = [{transform_indices = #map}, {transform_indices = #map1}]} {
    %mul3A = arith.constant 16 : i32
    %mul3A_0 = arith.muli %arg0, %mul3A : i32
    %add3A = arith.addi %mul3A_0, %arg1 : i32
    %mul3A_1 = arith.constant 632 : i32
    %mul3A_2 = arith.muli %arg1, %mul3A_1 : i32
    %scan3A = arith.constant 0 : i32
    %scan3A_3 = arith.constant 632 : i32
    %scan3A_4 = arith.addi %scan3A, %scan3A_3 : i32
    %scan3A_5 = arith.constant 1 : i32
    scf.for %scan3A_18 = %scan3A to %scan3A_4 step %scan3A_5  : i32 {
      %mul3A_19 = arith.constant 1 : i32
      %mul3A_20 = arith.muli %scan3A_18, %mul3A_19 : i32
      %add3A_21 = arith.constant 0 : i32
      %add3A_22 = arith.addi %add3A_21, %mul3A_20 : i32
      %broadcast_in_dim3A = arith.constant 0.000000e+00 : f32
      %broadcast_in_dim3A_23 = vector.broadcast %broadcast_in_dim3A : f32 to vector<16xf32>
      %swap3A = arith.index_cast %add3A_22 : i32 to index
      %swap3A_24 = arith.constant 0 : index
      %swap3A_25 = tpu.vector_load %arg7[%swap3A, %swap3A_24] {strides = array<i32>} : memref<632x16xf32, #tpu.memory_space<vmem>>, vector<1x16xf32>,
      %swap3A_26 = vector.shape_cast %swap3A_25 : vector<1x16xf32> to vector<16xf32>
      %swap3A_27 = vector.shape_cast %broadcast_in_dim3A_23 : vector<16xf32> to vector<1x16xf32>
      tpu.vector_store %arg7[%swap3A, %swap3A_24], %swap3A_27 {strides = array<i32>} : memref<632x16xf32, #tpu.memory_space<vmem>>, vector<1x16xf32>,
    }
    %scan3A_6 = arith.constant 632 : i32
    "tpu.region"() ({
      %run_scoped3A = tpu.sem_alloc : memref<!tpu.dma_semaphore, #tpu.memory_space<semaphore_mem>>
      %dma_start3A = arith.constant 0 : i32
      %dma_start3A_18 = tpu.memref_slice %arg4[%mul3A_2, %dma_start3A] : memref<10112x16xf32, #tpu.memory_space<vmem_shared>> -> memref<632x16xf32, #tpu.memory_space<vmem_shared>>
      %dma_start3A_19 = arith.constant 0 : i32
      %dma_start3A_20 = tpu.memref_slice %arg4[%mul3A_2, %dma_start3A_19] : memref<10112x16xf32, #tpu.memory_space<vmem_shared>> -> memref<632x16xf32, #tpu.memory_space<vmem_shared>>
      tpu.enqueue_dma source(%arg7 : memref<632x16xf32, #tpu.memory_space<vmem>>) target(%dma_start3A_20 : memref<632x16xf32, #tpu.memory_space<vmem_shared>>) target_semaphore(%run_scoped3A : memref<!tpu.dma_semaphore, #tpu.memory_space<semaphore_mem>>)
      %dma_wait3A = arith.constant 0 : i32
      %dma_wait3A_21 = tpu.memref_slice %arg4[%mul3A_2, %dma_wait3A] : memref<10112x16xf32, #tpu.memory_space<vmem_shared>> -> memref<632x16xf32, #tpu.memory_space<vmem_shared>>
      %dma_wait3A_22 = arith.constant 0 : i32
      %dma_wait3A_23 = tpu.memref_slice %arg4[%mul3A_2, %dma_wait3A_22] : memref<10112x16xf32, #tpu.memory_space<vmem_shared>> -> memref<632x16xf32, #tpu.memory_space<vmem_shared>>
      tpu.wait_dma2 semaphore(%run_scoped3A : memref<!tpu.dma_semaphore, #tpu.memory_space<semaphore_mem>>) src(%arg7 : memref<632x16xf32, #tpu.memory_space<vmem>>) dst(%dma_wait3A_23 : memref<632x16xf32, #tpu.memory_space<vmem_shared>>)
      tpu.yield
    }) : () -> ()
    %scan3A_7 = arith.constant 0 : i32
    %scan3A_8 = arith.constant 128 : i32
    %scan3A_9 = arith.addi %scan3A_7, %scan3A_8 : i32
    %scan3A_10 = arith.constant 1 : i32
    scf.for %scan3A_18 = %scan3A_7 to %scan3A_9 step %scan3A_10  : i32 {
      %mul3A_19 = arith.constant 1 : i32
      %mul3A_20 = arith.muli %scan3A_18, %mul3A_19 : i32
      %add3A_21 = arith.constant 0 : i32
      %add3A_22 = arith.addi %add3A_21, %mul3A_20 : i32
      %broadcast_in_dim3A = arith.constant 1.000000e+00 : f32
      %broadcast_in_dim3A_23 = vector.broadcast %broadcast_in_dim3A : f32 to vector<16xf32>
      %swap3A = arith.index_cast %add3A_22 : i32 to index
      %swap3A_24 = arith.constant 0 : index
      %swap3A_25 = tpu.vector_load %arg6[%swap3A, %swap3A_24] {strides = array<i32>} : memref<128x16xf32, #tpu.memory_space<vmem>>, vector<1x16xf32>,
      %swap3A_26 = vector.shape_cast %swap3A_25 : vector<1x16xf32> to vector<16xf32>
      %swap3A_27 = vector.shape_cast %broadcast_in_dim3A_23 : vector<16xf32> to vector<1x16xf32>
      tpu.vector_store %arg6[%swap3A, %swap3A_24], %swap3A_27 {strides = array<i32>} : memref<128x16xf32, #tpu.memory_space<vmem>>, vector<1x16xf32>,
    }
    %scan3A_11 = arith.constant 128 : i32
    %barrier3A = arith.constant 0 : index
    tpu.barrier barrier_id(%barrier3A)
    %scan3A_12 = arith.constant 0 : i32
    %scan3A_13 = arith.constant 40 : i32
    %scan3A_14 = arith.addi %scan3A_12, %scan3A_13 : i32
    %scan3A_15 = arith.constant 1 : i32
    scf.for %scan3A_18 = %scan3A_12 to %scan3A_14 step %scan3A_15  : i32 {
      %mul3A_19 = arith.constant 1 : i32
      %mul3A_20 = arith.muli %scan3A_18, %mul3A_19 : i32
      %add3A_21 = arith.constant 0 : i32
      %add3A_22 = arith.addi %add3A_21, %mul3A_20 : i32
      %mul3A_23 = arith.constant 40 : i32
      %mul3A_24 = arith.muli %add3A, %mul3A_23 : i32
      %add3A_25 = arith.addi %mul3A_24, %add3A_22 : i32
      %mul3A_26 = arith.constant 128 : i32
      %mul3A_27 = arith.muli %add3A_25, %mul3A_26 : i32
      "tpu.region"() ({
        %run_scoped3A = tpu.sem_alloc : memref<!tpu.dma_semaphore, #tpu.memory_space<semaphore_mem>>
        %dma_start3A = tpu.memref_slice %arg2[%mul3A_27] : memref<163840xi32, #tpu.memory_space<hbm>> -> memref<128xi32, #tpu.memory_space<hbm>>
        %dma_start3A_28 = tpu.memref_slice %arg2[%mul3A_27] : memref<163840xi32, #tpu.memory_space<hbm>> -> memref<128xi32, #tpu.memory_space<hbm>>
        tpu.enqueue_dma source(%dma_start3A_28 : memref<128xi32, #tpu.memory_space<hbm>>) target(%arg5 : memref<128xi32, #tpu.memory_space<vmem>>) target_semaphore(%run_scoped3A : memref<!tpu.dma_semaphore, #tpu.memory_space<semaphore_mem>>)
        %dma_wait3A = tpu.memref_slice %arg2[%mul3A_27] : memref<163840xi32, #tpu.memory_space<hbm>> -> memref<128xi32, #tpu.memory_space<hbm>>
        %dma_wait3A_29 = tpu.memref_slice %arg2[%mul3A_27] : memref<163840xi32, #tpu.memory_space<hbm>> -> memref<128xi32, #tpu.memory_space<hbm>>
        tpu.wait_dma2 semaphore(%run_scoped3A : memref<!tpu.dma_semaphore, #tpu.memory_space<semaphore_mem>>) src(%dma_wait3A_29 : memref<128xi32, #tpu.memory_space<hbm>>) dst(%arg5 : memref<128xi32, #tpu.memory_space<vmem>>)
        tpu.yield
      }) : () -> ()
      "tpu.region"() ({
        %run_scoped3A = tpu.sem_alloc : memref<!tpu.dma_semaphore, #tpu.memory_space<semaphore_mem>>
        %dma_start3A = arith.constant 0 : i32
        %dma_start3A_28 = arith.constant 0 : i32
        %dma_start3A_29 = tpu.memref_slice %arg4[%dma_start3A, %dma_start3A_28] : memref<10112x16xf32, #tpu.memory_space<vmem_shared>> -> memref<10112x16xf32, #tpu.memory_space<vmem_shared>>
        tpu.enqueue_indirect_dma source(%arg6 : memref<128x16xf32, #tpu.memory_space<vmem>>) target(%dma_start3A_29 : memref<10112x16xf32, #tpu.memory_space<vmem_shared>>) offsets(%arg5 : memref<128xi32, #tpu.memory_space<vmem>>) semaphore(%run_scoped3A : memref<!tpu.dma_semaphore, #tpu.memory_space<semaphore_mem>>) {add = true}
        %dma_wait3A = arith.constant 0 : i32
        %dma_wait3A_30 = arith.constant 0 : i32
        %dma_wait3A_31 = tpu.memref_slice %arg4[%dma_wait3A, %dma_wait3A_30] : memref<10112x16xf32, #tpu.memory_space<vmem_shared>> -> memref<10112x16xf32, #tpu.memory_space<vmem_shared>>
        tpu.wait_indirect_dma semaphore(%run_scoped3A : memref<!tpu.dma_semaphore, #tpu.memory_space<semaphore_mem>>) src(%arg6 : memref<128x16xf32, #tpu.memory_space<vmem>>) dst(%dma_wait3A_31 : memref<10112x16xf32, #tpu.memory_space<vmem_shared>>)
        tpu.yield
      }) : () -> ()
    }
    %scan3A_16 = arith.constant 40 : i32
    %barrier3A_17 = arith.constant 0 : index
    tpu.barrier barrier_id(%barrier3A_17)
    "tpu.region"() ({
      %run_scoped3A = tpu.sem_alloc : memref<!tpu.dma_semaphore, #tpu.memory_space<semaphore_mem>>
      %dma_start3A = arith.constant 0 : i32
      %dma_start3A_18 = tpu.memref_slice %arg4[%mul3A_2, %dma_start3A] : memref<10112x16xf32, #tpu.memory_space<vmem_shared>> -> memref<632x16xf32, #tpu.memory_space<vmem_shared>>
      %dma_start3A_19 = arith.constant 0 : i32
      %dma_start3A_20 = tpu.memref_slice %arg4[%mul3A_2, %dma_start3A_19] : memref<10112x16xf32, #tpu.memory_space<vmem_shared>> -> memref<632x16xf32, #tpu.memory_space<vmem_shared>>
      tpu.enqueue_dma source(%dma_start3A_20 : memref<632x16xf32, #tpu.memory_space<vmem_shared>>) target(%arg7 : memref<632x16xf32, #tpu.memory_space<vmem>>) target_semaphore(%run_scoped3A : memref<!tpu.dma_semaphore, #tpu.memory_space<semaphore_mem>>)
      %dma_wait3A = arith.constant 0 : i32
      %dma_wait3A_21 = tpu.memref_slice %arg4[%mul3A_2, %dma_wait3A] : memref<10112x16xf32, #tpu.memory_space<vmem_shared>> -> memref<632x16xf32, #tpu.memory_space<vmem_shared>>
      %dma_wait3A_22 = arith.constant 0 : i32
      %dma_wait3A_23 = tpu.memref_slice %arg4[%mul3A_2, %dma_wait3A_22] : memref<10112x16xf32, #tpu.memory_space<vmem_shared>> -> memref<632x16xf32, #tpu.memory_space<vmem_shared>>
      tpu.wait_dma2 semaphore(%run_scoped3A : memref<!tpu.dma_semaphore, #tpu.memory_space<semaphore_mem>>) src(%dma_wait3A_23 : memref<632x16xf32, #tpu.memory_space<vmem_shared>>) dst(%arg7 : memref<632x16xf32, #tpu.memory_space<vmem>>)
      tpu.yield
    }) : () -> ()
    "tpu.region"() ({
      %run_scoped3A = tpu.sem_alloc : memref<!tpu.dma_semaphore, #tpu.memory_space<semaphore_mem>>
      %dma_start3A = arith.constant 0 : i32
      %dma_start3A_18 = tpu.memref_slice %arg3[%arg0, %mul3A_2, %dma_start3A] : memref<2x10112x16xf32, #tpu.memory_space<hbm>> -> memref<1x632x16xf32, #tpu.memory_space<hbm>>
      %dma_start3A_19 = tpu.memref_squeeze %dma_start3A_18 : memref<1x632x16xf32, #tpu.memory_space<hbm>> -> memref<632x16xf32, #tpu.memory_space<hbm>>
      %dma_start3A_20 = arith.constant 0 : i32
      %dma_start3A_21 = tpu.memref_slice %arg3[%arg0, %mul3A_2, %dma_start3A_20] : memref<2x10112x16xf32, #tpu.memory_space<hbm>> -> memref<1x632x16xf32, #tpu.memory_space<hbm>>
      %dma_start3A_22 = tpu.memref_squeeze %dma_start3A_21 : memref<1x632x16xf32, #tpu.memory_space<hbm>> -> memref<632x16xf32, #tpu.memory_space<hbm>>
      tpu.enqueue_dma source(%arg7 : memref<632x16xf32, #tpu.memory_space<vmem>>) target(%dma_start3A_22 : memref<632x16xf32, #tpu.memory_space<hbm>>) target_semaphore(%run_scoped3A : memref<!tpu.dma_semaphore, #tpu.memory_space<semaphore_mem>>)
      %dma_wait3A = arith.constant 0 : i32
      %dma_wait3A_23 = tpu.memref_slice %arg3[%arg0, %mul3A_2, %dma_wait3A] : memref<2x10112x16xf32, #tpu.memory_space<hbm>> -> memref<1x632x16xf32, #tpu.memory_space<hbm>>
      %dma_wait3A_24 = tpu.memref_squeeze %dma_wait3A_23 : memref<1x632x16xf32, #tpu.memory_space<hbm>> -> memref<632x16xf32, #tpu.memory_space<hbm>>
      %dma_wait3A_25 = arith.constant 0 : i32
      %dma_wait3A_26 = tpu.memref_slice %arg3[%arg0, %mul3A_2, %dma_wait3A_25] : memref<2x10112x16xf32, #tpu.memory_space<hbm>> -> memref<1x632x16xf32, #tpu.memory_space<hbm>>
      %dma_wait3A_27 = tpu.memref_squeeze %dma_wait3A_26 : memref<1x632x16xf32, #tpu.memory_space<hbm>> -> memref<632x16xf32, #tpu.memory_space<hbm>>
      tpu.wait_dma2 semaphore(%run_scoped3A : memref<!tpu.dma_semaphore, #tpu.memory_space<semaphore_mem>>) src(%arg7 : memref<632x16xf32, #tpu.memory_space<vmem>>) dst(%dma_wait3A_27 : memref<632x16xf32, #tpu.memory_space<hbm>>)
      tpu.yield
    }) : () -> ()
    return
  }
}

#map = affine_map<(d0, d1) -> (0, 0)>
#map1 = affine_map<(d0, d1) -> (0)>
#map2 = affine_map<(d0, d1) -> (0, 0, 0)>
module attributes {stable_mosaic.version = 14 : i64} {
  func.func @k(%arg0: i32, %arg1: i32, %arg2: memref<10112x16xf32, #tpu.memory_space<hbm>>, %arg3: memref<163840xi32, #tpu.memory_space<hbm>>, %arg4: memref<163840xi32, #tpu.memory_space<hbm>>, %arg5: memref<2x10112x16xf32, #tpu.memory_space<hbm>>, %arg6: memref<10112x16xf32, #tpu.memory_space<vmem_shared>>, %arg7: memref<5120xi32, #tpu.memory_space<vmem>>, %arg8: memref<128xi32, #tpu.memory_space<vmem>>, %arg9: memref<128x16xf32, #tpu.memory_space<vmem>>, %arg10: memref<632x16xf32, #tpu.memory_space<vmem>>, %arg11: memref<!tpu.dma_semaphore, #tpu.memory_space<semaphore_mem>>) attributes {dimension_semantics = [#tpu.dimension_semantics<core_parallel>, #tpu.dimension_semantics<subcore_parallel>], iteration_bounds = array<i64: 2, 16>, scalar_prefetch = 0 : i64, scratch_operands = 6 : i64, tpu.core_type = #tpu.core_type<sc_vector_subcore>, window_params = [{transform_indices = #map}, {transform_indices = #map1}, {transform_indices = #map1}, {transform_indices = #map2}]} {
    %mul3A = arith.constant 16 : i32
    %mul3A_0 = arith.muli %arg0, %mul3A : i32
    %add3A = arith.addi %mul3A_0, %arg1 : i32
    %mul3A_1 = arith.constant 632 : i32
    %mul3A_2 = arith.muli %arg1, %mul3A_1 : i32
    %scan3A = arith.constant 0 : i32
    %scan3A_3 = arith.constant 632 : i32
    %scan3A_4 = arith.addi %scan3A, %scan3A_3 : i32
    %scan3A_5 = arith.constant 1 : i32
    scf.for %scan3A_17 = %scan3A to %scan3A_4 step %scan3A_5  : i32 {
      %mul3A_18 = arith.constant 1 : i32
      %mul3A_19 = arith.muli %scan3A_17, %mul3A_18 : i32
      %add3A_20 = arith.constant 0 : i32
      %add3A_21 = arith.addi %add3A_20, %mul3A_19 : i32
      %broadcast_in_dim3A = arith.constant 0.000000e+00 : f32
      %broadcast_in_dim3A_22 = vector.broadcast %broadcast_in_dim3A : f32 to vector<16xf32>
      %swap3A = arith.index_cast %add3A_21 : i32 to index
      %swap3A_23 = arith.constant 0 : index
      %swap3A_24 = tpu.vector_load %arg10[%swap3A, %swap3A_23] {strides = array<i32>} : memref<632x16xf32, #tpu.memory_space<vmem>>, vector<1x16xf32>,
      %swap3A_25 = vector.shape_cast %swap3A_24 : vector<1x16xf32> to vector<16xf32>
      %swap3A_26 = vector.shape_cast %broadcast_in_dim3A_22 : vector<16xf32> to vector<1x16xf32>
      tpu.vector_store %arg10[%swap3A, %swap3A_23], %swap3A_26 {strides = array<i32>} : memref<632x16xf32, #tpu.memory_space<vmem>>, vector<1x16xf32>,
    }
    %scan3A_6 = arith.constant 632 : i32
    "tpu.region"() ({
      %run_scoped3A = tpu.sem_alloc : memref<!tpu.dma_semaphore, #tpu.memory_space<semaphore_mem>>
      %dma_start3A = arith.constant 0 : i32
      %dma_start3A_17 = tpu.memref_slice %arg6[%mul3A_2, %dma_start3A] : memref<10112x16xf32, #tpu.memory_space<vmem_shared>> -> memref<632x16xf32, #tpu.memory_space<vmem_shared>>
      %dma_start3A_18 = arith.constant 0 : i32
      %dma_start3A_19 = tpu.memref_slice %arg6[%mul3A_2, %dma_start3A_18] : memref<10112x16xf32, #tpu.memory_space<vmem_shared>> -> memref<632x16xf32, #tpu.memory_space<vmem_shared>>
      tpu.enqueue_dma source(%arg10 : memref<632x16xf32, #tpu.memory_space<vmem>>) target(%dma_start3A_19 : memref<632x16xf32, #tpu.memory_space<vmem_shared>>) target_semaphore(%run_scoped3A : memref<!tpu.dma_semaphore, #tpu.memory_space<semaphore_mem>>)
      %dma_wait3A = arith.constant 0 : i32
      %dma_wait3A_20 = tpu.memref_slice %arg6[%mul3A_2, %dma_wait3A] : memref<10112x16xf32, #tpu.memory_space<vmem_shared>> -> memref<632x16xf32, #tpu.memory_space<vmem_shared>>
      %dma_wait3A_21 = arith.constant 0 : i32
      %dma_wait3A_22 = tpu.memref_slice %arg6[%mul3A_2, %dma_wait3A_21] : memref<10112x16xf32, #tpu.memory_space<vmem_shared>> -> memref<632x16xf32, #tpu.memory_space<vmem_shared>>
      tpu.wait_dma2 semaphore(%run_scoped3A : memref<!tpu.dma_semaphore, #tpu.memory_space<semaphore_mem>>) src(%arg10 : memref<632x16xf32, #tpu.memory_space<vmem>>) dst(%dma_wait3A_22 : memref<632x16xf32, #tpu.memory_space<vmem_shared>>)
      tpu.yield
    }) : () -> ()
    %mul3A_7 = arith.constant 40 : i32
    %mul3A_8 = arith.muli %add3A, %mul3A_7 : i32
    %mul3A_9 = arith.constant 128 : i32
    %mul3A_10 = arith.muli %mul3A_8, %mul3A_9 : i32
    "tpu.region"() ({
      %run_scoped3A = tpu.sem_alloc : memref<!tpu.dma_semaphore, #tpu.memory_space<semaphore_mem>>
      %dma_start3A = tpu.memref_slice %arg3[%mul3A_10] : memref<163840xi32, #tpu.memory_space<hbm>> -> memref<5120xi32, #tpu.memory_space<hbm>>
      %dma_start3A_17 = tpu.memref_slice %arg3[%mul3A_10] : memref<163840xi32, #tpu.memory_space<hbm>> -> memref<5120xi32, #tpu.memory_space<hbm>>
      tpu.enqueue_dma source(%dma_start3A_17 : memref<5120xi32, #tpu.memory_space<hbm>>) target(%arg7 : memref<5120xi32, #tpu.memory_space<vmem>>) target_semaphore(%run_scoped3A : memref<!tpu.dma_semaphore, #tpu.memory_space<semaphore_mem>>)
      %dma_wait3A = tpu.memref_slice %arg3[%mul3A_10] : memref<163840xi32, #tpu.memory_space<hbm>> -> memref<5120xi32, #tpu.memory_space<hbm>>
      %dma_wait3A_18 = tpu.memref_slice %arg3[%mul3A_10] : memref<163840xi32, #tpu.memory_space<hbm>> -> memref<5120xi32, #tpu.memory_space<hbm>>
      tpu.wait_dma2 semaphore(%run_scoped3A : memref<!tpu.dma_semaphore, #tpu.memory_space<semaphore_mem>>) src(%dma_wait3A_18 : memref<5120xi32, #tpu.memory_space<hbm>>) dst(%arg7 : memref<5120xi32, #tpu.memory_space<vmem>>)
      tpu.yield
    }) : () -> ()
    %barrier3A = arith.constant 0 : index
    tpu.barrier barrier_id(%barrier3A)
    %scan3A_11 = arith.constant 0 : i32
    %scan3A_12 = arith.constant 40 : i32
    %scan3A_13 = arith.addi %scan3A_11, %scan3A_12 : i32
    %scan3A_14 = arith.constant 1 : i32
    scf.for %scan3A_17 = %scan3A_11 to %scan3A_13 step %scan3A_14  : i32 {
      %mul3A_18 = arith.constant 1 : i32
      %mul3A_19 = arith.muli %scan3A_17, %mul3A_18 : i32
      %add3A_20 = arith.constant 0 : i32
      %add3A_21 = arith.addi %add3A_20, %mul3A_19 : i32
      %mul3A_22 = arith.constant 40 : i32
      %mul3A_23 = arith.muli %add3A, %mul3A_22 : i32
      %add3A_24 = arith.addi %mul3A_23, %add3A_21 : i32
      %mul3A_25 = arith.constant 128 : i32
      %mul3A_26 = arith.muli %add3A_24, %mul3A_25 : i32
      "tpu.region"() ({
        %run_scoped3A = tpu.sem_alloc : memref<!tpu.dma_semaphore, #tpu.memory_space<semaphore_mem>>
        %dma_start3A_35 = tpu.memref_slice %arg4[%mul3A_26] : memref<163840xi32, #tpu.memory_space<hbm>> -> memref<128xi32, #tpu.memory_space<hbm>>
        %dma_start3A_36 = tpu.memref_slice %arg4[%mul3A_26] : memref<163840xi32, #tpu.memory_space<hbm>> -> memref<128xi32, #tpu.memory_space<hbm>>
        tpu.enqueue_dma source(%dma_start3A_36 : memref<128xi32, #tpu.memory_space<hbm>>) target(%arg8 : memref<128xi32, #tpu.memory_space<vmem>>) target_semaphore(%run_scoped3A : memref<!tpu.dma_semaphore, #tpu.memory_space<semaphore_mem>>)
        %dma_wait3A_37 = tpu.memref_slice %arg4[%mul3A_26] : memref<163840xi32, #tpu.memory_space<hbm>> -> memref<128xi32, #tpu.memory_space<hbm>>
        %dma_wait3A_38 = tpu.memref_slice %arg4[%mul3A_26] : memref<163840xi32, #tpu.memory_space<hbm>> -> memref<128xi32, #tpu.memory_space<hbm>>
        tpu.wait_dma2 semaphore(%run_scoped3A : memref<!tpu.dma_semaphore, #tpu.memory_space<semaphore_mem>>) src(%dma_wait3A_38 : memref<128xi32, #tpu.memory_space<hbm>>) dst(%arg8 : memref<128xi32, #tpu.memory_space<vmem>>)
        tpu.yield
      }) : () -> ()
      %mul3A_27 = arith.constant 128 : i32
      %mul3A_28 = arith.muli %add3A_21, %mul3A_27 : i32
      %dma_start3A = tpu.memref_slice %arg7[%mul3A_28] : memref<5120xi32, #tpu.memory_space<vmem>> -> memref<128xi32, #tpu.memory_space<vmem>>
      %dma_start3A_29 = arith.constant 0 : i32
      %dma_start3A_30 = arith.constant 0 : i32
      %dma_start3A_31 = tpu.memref_slice %arg2[%dma_start3A_29, %dma_start3A_30] : memref<10112x16xf32, #tpu.memory_space<hbm>> -> memref<10112x16xf32, #tpu.memory_space<hbm>>
      tpu.enqueue_indirect_dma source(%dma_start3A_31 : memref<10112x16xf32, #tpu.memory_space<hbm>>) target(%arg9 : memref<128x16xf32, #tpu.memory_space<vmem>>) offsets(%dma_start3A : memref<128xi32, #tpu.memory_space<vmem>>) semaphore(%arg11 : memref<!tpu.dma_semaphore, #tpu.memory_space<semaphore_mem>>)
      %dma_wait3A = tpu.memref_slice %arg7[%mul3A_28] : memref<5120xi32, #tpu.memory_space<vmem>> -> memref<128xi32, #tpu.memory_space<vmem>>
      %dma_wait3A_32 = arith.constant 0 : i32
      %dma_wait3A_33 = arith.constant 0 : i32
      %dma_wait3A_34 = tpu.memref_slice %arg2[%dma_wait3A_32, %dma_wait3A_33] : memref<10112x16xf32, #tpu.memory_space<hbm>> -> memref<10112x16xf32, #tpu.memory_space<hbm>>
      tpu.wait_indirect_dma semaphore(%arg11 : memref<!tpu.dma_semaphore, #tpu.memory_space<semaphore_mem>>) src(%dma_wait3A_34 : memref<10112x16xf32, #tpu.memory_space<hbm>>) dst(%arg9 : memref<128x16xf32, #tpu.memory_space<vmem>>)
      "tpu.region"() ({
        %run_scoped3A = tpu.sem_alloc : memref<!tpu.dma_semaphore, #tpu.memory_space<semaphore_mem>>
        %dma_start3A_35 = arith.constant 0 : i32
        %dma_start3A_36 = arith.constant 0 : i32
        %dma_start3A_37 = tpu.memref_slice %arg6[%dma_start3A_35, %dma_start3A_36] : memref<10112x16xf32, #tpu.memory_space<vmem_shared>> -> memref<10112x16xf32, #tpu.memory_space<vmem_shared>>
        tpu.enqueue_indirect_dma source(%arg9 : memref<128x16xf32, #tpu.memory_space<vmem>>) target(%dma_start3A_37 : memref<10112x16xf32, #tpu.memory_space<vmem_shared>>) offsets(%arg8 : memref<128xi32, #tpu.memory_space<vmem>>) semaphore(%run_scoped3A : memref<!tpu.dma_semaphore, #tpu.memory_space<semaphore_mem>>) {add = true}
        %dma_wait3A_38 = arith.constant 0 : i32
        %dma_wait3A_39 = arith.constant 0 : i32
        %dma_wait3A_40 = tpu.memref_slice %arg6[%dma_wait3A_38, %dma_wait3A_39] : memref<10112x16xf32, #tpu.memory_space<vmem_shared>> -> memref<10112x16xf32, #tpu.memory_space<vmem_shared>>
        tpu.wait_indirect_dma semaphore(%run_scoped3A : memref<!tpu.dma_semaphore, #tpu.memory_space<semaphore_mem>>) src(%arg9 : memref<128x16xf32, #tpu.memory_space<vmem>>) dst(%dma_wait3A_40 : memref<10112x16xf32, #tpu.memory_space<vmem_shared>>)
        tpu.yield
      }) : () -> ()
    }
    %scan3A_15 = arith.constant 40 : i32
    %barrier3A_16 = arith.constant 0 : index
    tpu.barrier barrier_id(%barrier3A_16)
    "tpu.region"() ({
      %run_scoped3A = tpu.sem_alloc : memref<!tpu.dma_semaphore, #tpu.memory_space<semaphore_mem>>
      %dma_start3A = arith.constant 0 : i32
      %dma_start3A_17 = tpu.memref_slice %arg6[%mul3A_2, %dma_start3A] : memref<10112x16xf32, #tpu.memory_space<vmem_shared>> -> memref<632x16xf32, #tpu.memory_space<vmem_shared>>
      %dma_start3A_18 = arith.constant 0 : i32
      %dma_start3A_19 = tpu.memref_slice %arg6[%mul3A_2, %dma_start3A_18] : memref<10112x16xf32, #tpu.memory_space<vmem_shared>> -> memref<632x16xf32, #tpu.memory_space<vmem_shared>>
      tpu.enqueue_dma source(%dma_start3A_19 : memref<632x16xf32, #tpu.memory_space<vmem_shared>>) target(%arg10 : memref<632x16xf32, #tpu.memory_space<vmem>>) target_semaphore(%run_scoped3A : memref<!tpu.dma_semaphore, #tpu.memory_space<semaphore_mem>>)
      %dma_wait3A = arith.constant 0 : i32
      %dma_wait3A_20 = tpu.memref_slice %arg6[%mul3A_2, %dma_wait3A] : memref<10112x16xf32, #tpu.memory_space<vmem_shared>> -> memref<632x16xf32, #tpu.memory_space<vmem_shared>>
      %dma_wait3A_21 = arith.constant 0 : i32
      %dma_wait3A_22 = tpu.memref_slice %arg6[%mul3A_2, %dma_wait3A_21] : memref<10112x16xf32, #tpu.memory_space<vmem_shared>> -> memref<632x16xf32, #tpu.memory_space<vmem_shared>>
      tpu.wait_dma2 semaphore(%run_scoped3A : memref<!tpu.dma_semaphore, #tpu.memory_space<semaphore_mem>>) src(%dma_wait3A_22 : memref<632x16xf32, #tpu.memory_space<vmem_shared>>) dst(%arg10 : memref<632x16xf32, #tpu.memory_space<vmem>>)
      tpu.yield
    }) : () -> ()
    "tpu.region"() ({
      %run_scoped3A = tpu.sem_alloc : memref<!tpu.dma_semaphore, #tpu.memory_space<semaphore_mem>>
      %dma_start3A = arith.constant 0 : i32
      %dma_start3A_17 = tpu.memref_slice %arg5[%arg0, %mul3A_2, %dma_start3A] : memref<2x10112x16xf32, #tpu.memory_space<hbm>> -> memref<1x632x16xf32, #tpu.memory_space<hbm>>
      %dma_start3A_18 = tpu.memref_squeeze %dma_start3A_17 : memref<1x632x16xf32, #tpu.memory_space<hbm>> -> memref<632x16xf32, #tpu.memory_space<hbm>>
      %dma_start3A_19 = arith.constant 0 : i32
      %dma_start3A_20 = tpu.memref_slice %arg5[%arg0, %mul3A_2, %dma_start3A_19] : memref<2x10112x16xf32, #tpu.memory_space<hbm>> -> memref<1x632x16xf32, #tpu.memory_space<hbm>>
      %dma_start3A_21 = tpu.memref_squeeze %dma_start3A_20 : memref<1x632x16xf32, #tpu.memory_space<hbm>> -> memref<632x16xf32, #tpu.memory_space<hbm>>
      tpu.enqueue_dma source(%arg10 : memref<632x16xf32, #tpu.memory_space<vmem>>) target(%dma_start3A_21 : memref<632x16xf32, #tpu.memory_space<hbm>>) target_semaphore(%run_scoped3A : memref<!tpu.dma_semaphore, #tpu.memory_space<semaphore_mem>>)
      %dma_wait3A = arith.constant 0 : i32
      %dma_wait3A_22 = tpu.memref_slice %arg5[%arg0, %mul3A_2, %dma_wait3A] : memref<2x10112x16xf32, #tpu.memory_space<hbm>> -> memref<1x632x16xf32, #tpu.memory_space<hbm>>
      %dma_wait3A_23 = tpu.memref_squeeze %dma_wait3A_22 : memref<1x632x16xf32, #tpu.memory_space<hbm>> -> memref<632x16xf32, #tpu.memory_space<hbm>>
      %dma_wait3A_24 = arith.constant 0 : i32
      %dma_wait3A_25 = tpu.memref_slice %arg5[%arg0, %mul3A_2, %dma_wait3A_24] : memref<2x10112x16xf32, #tpu.memory_space<hbm>> -> memref<1x632x16xf32, #tpu.memory_space<hbm>>
      %dma_wait3A_26 = tpu.memref_squeeze %dma_wait3A_25 : memref<1x632x16xf32, #tpu.memory_space<hbm>> -> memref<632x16xf32, #tpu.memory_space<hbm>>
      tpu.wait_dma2 semaphore(%run_scoped3A : memref<!tpu.dma_semaphore, #tpu.memory_space<semaphore_mem>>) src(%arg10 : memref<632x16xf32, #tpu.memory_space<vmem>>) dst(%dma_wait3A_26 : memref<632x16xf32, #tpu.memory_space<hbm>>)
      tpu.yield
    }) : () -> ()
    return
  }
}

module attributes {stable_mosaic.version = 14 : i64} {
  func.func @body(%arg0: i32, %arg1: memref<1000x640xf32, #tpu.memory_space<vmem>>, %arg2: memref<640x16xf32, #tpu.memory_space<vmem>>, %arg3: memref<2x1000x16xf32, #tpu.memory_space<vmem>>, %arg4: memref<1000x16xf32, #tpu.memory_space<vmem>>, %arg5: memref<1000x16xf32, #tpu.memory_space<vmem>>) attributes {dimension_semantics = [#tpu.dimension_semantics<arbitrary>], iteration_bounds = array<i64: 10>, scalar_prefetch = 0 : i64, scratch_operands = 0 : i64, tpu.core_type = #tpu.core_type<tc>, window_params = [{transform_indices = @transform_0, window_bounds = array<i64: 1000, 640>}, {pipeline_mode = #tpu.pipeline_mode<synchronous>, transform_indices = @transform_1, window_bounds = array<i64: 640, 16>}, {transform_indices = @transform_2, window_bounds = array<i64: 2, 1000, 16>}, {transform_indices = @transform_3, window_bounds = array<i64: 1000, 16>}, {transform_indices = @transform_4, window_bounds = array<i64: 1000, 16>}]} {
    %get3A = arith.constant 0 : index
    %get3A_0 = arith.constant 0 : index
    %get3A_1 = arith.constant 0 : index
    %get3A_2 = vector.load %arg3[%get3A, %get3A_0, %get3A_1] : memref<2x1000x16xf32, #tpu.memory_space<vmem>>, vector<1x1000x16xf32>
    %get3A_3 = vector.shape_cast %get3A_2 : vector<1x1000x16xf32> to vector<1000x16xf32>
    %get3A_4 = arith.constant 1 : index
    %get3A_5 = arith.constant 0 : index
    %get3A_6 = arith.constant 0 : index
    %get3A_7 = vector.load %arg3[%get3A_4, %get3A_5, %get3A_6] : memref<2x1000x16xf32, #tpu.memory_space<vmem>>, vector<1x1000x16xf32>
    %get3A_8 = vector.shape_cast %get3A_7 : vector<1x1000x16xf32> to vector<1000x16xf32>
    %add3A = arith.addf %get3A_3, %get3A_8 : vector<1000x16xf32>
    %add3A_9 = arith.constant 1.000000e+00 : f32
    %add3A_10 = vector.broadcast %add3A_9 : f32 to vector<1000x16xf32>
    %add3A_11 = arith.addf %add3A, %add3A_10 : vector<1000x16xf32>
    %rsqrt3A = math.rsqrt %add3A_11 : vector<1000x16xf32>
    %get3A_12 = arith.constant 0 : index
    %get3A_13 = arith.constant 0 : index
    %get3A_14 = vector.load %arg1[%get3A_12, %get3A_13] : memref<1000x640xf32, #tpu.memory_space<vmem>>, vector<1000x640xf32>
    %get3A_15 = arith.constant 0 : index
    %get3A_16 = arith.constant 0 : index
    %get3A_17 = vector.load %arg2[%get3A_15, %get3A_16] : memref<640x16xf32, #tpu.memory_space<vmem>>, vector<640x16xf32>
    %dot_general3A = arith.constant dense<0.000000e+00> : vector<1000x16xf32>
    %dot_general3A_18 = tpu.matmul %get3A_14, %get3A_17, %dot_general3A {dimension_numbers = #tpu.dot_dimension_numbers<[1], [0], [0], [1], [0, 0, 1, 1], [], []>, transpose_lhs_hint = false} : vector<1000x640xf32>, vector<640x16xf32>, vector<1000x16xf32> -> vector<1000x16xf32>
    %mul3A = arith.mulf %rsqrt3A, %dot_general3A_18 : vector<1000x16xf32>
    %swap3A = arith.constant 0 : index
    %swap3A_19 = arith.constant 0 : index
    %swap3A_20 = vector.load %arg4[%swap3A, %swap3A_19] : memref<1000x16xf32, #tpu.memory_space<vmem>>, vector<1000x16xf32>
    tpu.vector_store %arg4[%swap3A, %swap3A_19], %mul3A {strides = array<i32>} : memref<1000x16xf32, #tpu.memory_space<vmem>>, vector<1000x16xf32>,
    %swap3A_21 = arith.constant 0 : index
    %swap3A_22 = arith.constant 0 : index
    %swap3A_23 = vector.load %arg5[%swap3A_21, %swap3A_22] : memref<1000x16xf32, #tpu.memory_space<vmem>>, vector<1000x16xf32>
    tpu.vector_store %arg5[%swap3A_21, %swap3A_22], %rsqrt3A {strides = array<i32>} : memref<1000x16xf32, #tpu.memory_space<vmem>>, vector<1000x16xf32>,
    return
  }
  func.func @transform_0(%arg0: i32) -> (i32, i32) {
    %c0_i32 = arith.constant 0 : i32
    %c0_i32_0 = arith.constant 0 : i32
    return %arg0, %c0_i32 : i32, i32
  }
  func.func @transform_1(%arg0: i32) -> (i32, i32) {
    %c0_i32 = arith.constant 0 : i32
    %c0_i32_0 = arith.constant 0 : i32
    %c0_i32_1 = arith.constant 0 : i32
    return %c0_i32, %c0_i32_0 : i32, i32
  }
  func.func @transform_2(%arg0: i32) -> (i32, i32, i32) {
    %c0_i32 = arith.constant 0 : i32
    %c0_i32_0 = arith.constant 0 : i32
    %c0_i32_1 = arith.constant 0 : i32
    return %c0_i32, %arg0, %c0_i32_0 : i32, i32, i32
  }
  func.func @transform_3(%arg0: i32) -> (i32, i32) {
    %c0_i32 = arith.constant 0 : i32
    %c0_i32_0 = arith.constant 0 : i32
    return %arg0, %c0_i32 : i32, i32
  }
  func.func @transform_4(%arg0: i32) -> (i32, i32) {
    %c0_i32 = arith.constant 0 : i32
    %c0_i32_0 = arith.constant 0 : i32
    return %arg0, %c0_i32 : i32, i32
  }
}

module attributes {stable_mosaic.version = 14 : i64} {
  func.func @body(%arg0: i32, %arg1: memref<2x1000x16xf32, #tpu.memory_space<vmem>>, %arg2: memref<1000x16xf32, #tpu.memory_space<vmem>>, %arg3: memref<1000x16xf32, #tpu.memory_space<vmem>>, %arg4: memref<1x16xf32, #tpu.memory_space<vmem>>, %arg5: memref<16x16xf32, #tpu.memory_space<vmem>>, %arg6: memref<1000x16xf32, #tpu.memory_space<vmem>>) attributes {dimension_semantics = [#tpu.dimension_semantics<arbitrary>], iteration_bounds = array<i64: 10>, scalar_prefetch = 0 : i64, scratch_operands = 0 : i64, tpu.core_type = #tpu.core_type<tc>, window_params = [{transform_indices = @transform_0, window_bounds = array<i64: 2, 1000, 16>}, {transform_indices = @transform_1, window_bounds = array<i64: 1000, 16>}, {transform_indices = @transform_2, window_bounds = array<i64: 1000, 16>}, {pipeline_mode = #tpu.pipeline_mode<synchronous>, transform_indices = @transform_3, window_bounds = array<i64: 1, 16>}, {pipeline_mode = #tpu.pipeline_mode<synchronous>, transform_indices = @transform_4, window_bounds = array<i64: 16, 16>}, {transform_indices = @transform_5, window_bounds = array<i64: 1000, 16>}]} {
    %get3A = arith.constant 0 : index
    %get3A_0 = arith.constant 0 : index
    %get3A_1 = vector.load %arg3[%get3A, %get3A_0] : memref<1000x16xf32, #tpu.memory_space<vmem>>, vector<1000x16xf32>
    %get3A_2 = arith.constant 0 : index
    %get3A_3 = arith.constant 0 : index
    %get3A_4 = arith.constant 0 : index
    %get3A_5 = vector.load %arg1[%get3A_2, %get3A_3, %get3A_4] : memref<2x1000x16xf32, #tpu.memory_space<vmem>>, vector<1x1000x16xf32>
    %get3A_6 = vector.shape_cast %get3A_5 : vector<1x1000x16xf32> to vector<1000x16xf32>
    %get3A_7 = arith.constant 1 : index
    %get3A_8 = arith.constant 0 : index
    %get3A_9 = arith.constant 0 : index
    %get3A_10 = vector.load %arg1[%get3A_7, %get3A_8, %get3A_9] : memref<2x1000x16xf32, #tpu.memory_space<vmem>>, vector<1x1000x16xf32>
    %get3A_11 = vector.shape_cast %get3A_10 : vector<1x1000x16xf32> to vector<1000x16xf32>
    %add3A = arith.addf %get3A_6, %get3A_11 : vector<1000x16xf32>
    %get3A_12 = arith.constant 0 : index
    %get3A_13 = arith.constant 0 : index
    %get3A_14 = vector.load %arg2[%get3A_12, %get3A_13] : memref<1000x16xf32, #tpu.memory_space<vmem>>, vector<1000x16xf32>
    %add3A_15 = arith.addf %add3A, %get3A_14 : vector<1000x16xf32>
    %mul3A = arith.mulf %get3A_1, %add3A_15 : vector<1000x16xf32>
    %get3A_16 = arith.constant 0 : index
    %get3A_17 = arith.constant 0 : index
    %get3A_18 = vector.load %arg4[%get3A_16, %get3A_17] : memref<1x16xf32, #tpu.memory_space<vmem>>, vector<1x16xf32>
    %add3A_19 = vector.broadcast %get3A_18 : vector<1x16xf32> to vector<1000x16xf32>
    %add3A_20 = arith.addf %mul3A, %add3A_19 : vector<1000x16xf32>
    %max3A = arith.constant 0.000000e+00 : f32
    %max3A_21 = vector.broadcast %max3A : f32 to vector<1000x16xf32>
    %max3A_22 = arith.maximumf %add3A_20, %max3A_21 : vector<1000x16xf32>
    %mul3A_23 = arith.mulf %get3A_1, %max3A_22 : vector<1000x16xf32>
    %get3A_24 = arith.constant 0 : index
    %get3A_25 = arith.constant 0 : index
    %get3A_26 = vector.load %arg5[%get3A_24, %get3A_25] : memref<16x16xf32, #tpu.memory_space<vmem>>, vector<16x16xf32>
    %dot_general3A = arith.constant dense<0.000000e+00> : vector<1000x16xf32>
    %dot_general3A_27 = tpu.matmul %mul3A_23, %get3A_26, %dot_general3A {dimension_numbers = #tpu.dot_dimension_numbers<[1], [0], [0], [1], [0, 0, 1, 1], [], []>, transpose_lhs_hint = false} : vector<1000x16xf32>, vector<16x16xf32>, vector<1000x16xf32> -> vector<1000x16xf32>
    %swap3A = arith.constant 0 : index
    %swap3A_28 = arith.constant 0 : index
    %swap3A_29 = vector.load %arg6[%swap3A, %swap3A_28] : memref<1000x16xf32, #tpu.memory_space<vmem>>, vector<1000x16xf32>
    tpu.vector_store %arg6[%swap3A, %swap3A_28], %dot_general3A_27 {strides = array<i32>} : memref<1000x16xf32, #tpu.memory_space<vmem>>, vector<1000x16xf32>,
    return
  }
  func.func @transform_0(%arg0: i32) -> (i32, i32, i32) {
    %c0_i32 = arith.constant 0 : i32
    %c0_i32_0 = arith.constant 0 : i32
    %c0_i32_1 = arith.constant 0 : i32
    return %c0_i32, %arg0, %c0_i32_0 : i32, i32, i32
  }
  func.func @transform_1(%arg0: i32) -> (i32, i32) {
    %c0_i32 = arith.constant 0 : i32
    %c0_i32_0 = arith.constant 0 : i32
    return %arg0, %c0_i32 : i32, i32
  }
  func.func @transform_2(%arg0: i32) -> (i32, i32) {
    %c0_i32 = arith.constant 0 : i32
    %c0_i32_0 = arith.constant 0 : i32
    return %arg0, %c0_i32 : i32, i32
  }
  func.func @transform_3(%arg0: i32) -> (i32, i32) {
    %c0_i32 = arith.constant 0 : i32
    %c0_i32_0 = arith.constant 0 : i32
    %c0_i32_1 = arith.constant 0 : i32
    return %c0_i32, %c0_i32_0 : i32, i32
  }
  func.func @transform_4(%arg0: i32) -> (i32, i32) {
    %c0_i32 = arith.constant 0 : i32
    %c0_i32_0 = arith.constant 0 : i32
    %c0_i32_1 = arith.constant 0 : i32
    return %c0_i32, %c0_i32_0 : i32, i32
  }
  func.func @transform_5(%arg0: i32) -> (i32, i32) {
    %c0_i32 = arith.constant 0 : i32
    %c0_i32_0 = arith.constant 0 : i32
    return %arg0, %c0_i32 : i32, i32
  }
}

module attributes {stable_mosaic.version = 14 : i64} {
  func.func @body(%arg0: i32, %arg1: memref<2x1000x16xf32, #tpu.memory_space<vmem>>, %arg2: memref<1000x16xf32, #tpu.memory_space<vmem>>, %arg3: memref<1000x16xf32, #tpu.memory_space<vmem>>, %arg4: memref<1x16xf32, #tpu.memory_space<vmem>>, %arg5: memref<1000x16xf32, #tpu.memory_space<vmem>>) attributes {dimension_semantics = [#tpu.dimension_semantics<arbitrary>], iteration_bounds = array<i64: 10>, scalar_prefetch = 0 : i64, scratch_operands = 0 : i64, tpu.core_type = #tpu.core_type<tc>, window_params = [{transform_indices = @transform_0, window_bounds = array<i64: 2, 1000, 16>}, {transform_indices = @transform_1, window_bounds = array<i64: 1000, 16>}, {transform_indices = @transform_2, window_bounds = array<i64: 1000, 16>}, {pipeline_mode = #tpu.pipeline_mode<synchronous>, transform_indices = @transform_3, window_bounds = array<i64: 1, 16>}, {transform_indices = @transform_4, window_bounds = array<i64: 1000, 16>}]} {
    %get3A = arith.constant 0 : index
    %get3A_0 = arith.constant 0 : index
    %get3A_1 = vector.load %arg3[%get3A, %get3A_0] : memref<1000x16xf32, #tpu.memory_space<vmem>>, vector<1000x16xf32>
    %get3A_2 = arith.constant 0 : index
    %get3A_3 = arith.constant 0 : index
    %get3A_4 = arith.constant 0 : index
    %get3A_5 = vector.load %arg1[%get3A_2, %get3A_3, %get3A_4] : memref<2x1000x16xf32, #tpu.memory_space<vmem>>, vector<1x1000x16xf32>
    %get3A_6 = vector.shape_cast %get3A_5 : vector<1x1000x16xf32> to vector<1000x16xf32>
    %get3A_7 = arith.constant 1 : index
    %get3A_8 = arith.constant 0 : index
    %get3A_9 = arith.constant 0 : index
    %get3A_10 = vector.load %arg1[%get3A_7, %get3A_8, %get3A_9] : memref<2x1000x16xf32, #tpu.memory_space<vmem>>, vector<1x1000x16xf32>
    %get3A_11 = vector.shape_cast %get3A_10 : vector<1x1000x16xf32> to vector<1000x16xf32>
    %add3A = arith.addf %get3A_6, %get3A_11 : vector<1000x16xf32>
    %get3A_12 = arith.constant 0 : index
    %get3A_13 = arith.constant 0 : index
    %get3A_14 = vector.load %arg2[%get3A_12, %get3A_13] : memref<1000x16xf32, #tpu.memory_space<vmem>>, vector<1000x16xf32>
    %add3A_15 = arith.addf %add3A, %get3A_14 : vector<1000x16xf32>
    %mul3A = arith.mulf %get3A_1, %add3A_15 : vector<1000x16xf32>
    %get3A_16 = arith.constant 0 : index
    %get3A_17 = arith.constant 0 : index
    %get3A_18 = vector.load %arg4[%get3A_16, %get3A_17] : memref<1x16xf32, #tpu.memory_space<vmem>>, vector<1x16xf32>
    %add3A_19 = vector.broadcast %get3A_18 : vector<1x16xf32> to vector<1000x16xf32>
    %add3A_20 = arith.addf %mul3A, %add3A_19 : vector<1000x16xf32>
    %max3A = arith.constant 0.000000e+00 : f32
    %max3A_21 = vector.broadcast %max3A : f32 to vector<1000x16xf32>
    %max3A_22 = arith.maximumf %add3A_20, %max3A_21 : vector<1000x16xf32>
    %mul3A_23 = arith.mulf %get3A_1, %max3A_22 : vector<1000x16xf32>
    %swap3A = arith.constant 0 : index
    %swap3A_24 = arith.constant 0 : index
    %swap3A_25 = vector.load %arg5[%swap3A, %swap3A_24] : memref<1000x16xf32, #tpu.memory_space<vmem>>, vector<1000x16xf32>
    tpu.vector_store %arg5[%swap3A, %swap3A_24], %mul3A_23 {strides = array<i32>} : memref<1000x16xf32, #tpu.memory_space<vmem>>, vector<1000x16xf32>,
    return
  }
  func.func @transform_0(%arg0: i32) -> (i32, i32, i32) {
    %c0_i32 = arith.constant 0 : i32
    %c0_i32_0 = arith.constant 0 : i32
    %c0_i32_1 = arith.constant 0 : i32
    return %c0_i32, %arg0, %c0_i32_0 : i32, i32, i32
  }
  func.func @transform_1(%arg0: i32) -> (i32, i32) {
    %c0_i32 = arith.constant 0 : i32
    %c0_i32_0 = arith.constant 0 : i32
    return %arg0, %c0_i32 : i32, i32
  }
  func.func @transform_2(%arg0: i32) -> (i32, i32) {
    %c0_i32 = arith.constant 0 : i32
    %c0_i32_0 = arith.constant 0 : i32
    return %arg0, %c0_i32 : i32, i32
  }
  func.func @transform_3(%arg0: i32) -> (i32, i32) {
    %c0_i32 = arith.constant 0 : i32
    %c0_i32_0 = arith.constant 0 : i32
    %c0_i32_1 = arith.constant 0 : i32
    return %c0_i32, %c0_i32_0 : i32, i32
  }
  func.func @transform_4(%arg0: i32) -> (i32, i32) {
    %c0_i32 = arith.constant 0 : i32
    %c0_i32_0 = arith.constant 0 : i32
    return %arg0, %c0_i32 : i32, i32
  }
}

module attributes {stable_mosaic.version = 14 : i64} {
  func.func @body(%arg0: i32, %arg1: memref<2x1000x16xf32, #tpu.memory_space<vmem>>, %arg2: memref<1000x16xf32, #tpu.memory_space<vmem>>, %arg3: memref<1000x16xf32, #tpu.memory_space<vmem>>, %arg4: memref<16x640xf32, #tpu.memory_space<vmem>>, %arg5: memref<1x640xf32, #tpu.memory_space<vmem>>, %arg6: memref<1000x640xf32, #tpu.memory_space<vmem>>) attributes {dimension_semantics = [#tpu.dimension_semantics<arbitrary>], iteration_bounds = array<i64: 10>, scalar_prefetch = 0 : i64, scratch_operands = 0 : i64, tpu.core_type = #tpu.core_type<tc>, window_params = [{transform_indices = @transform_0, window_bounds = array<i64: 2, 1000, 16>}, {transform_indices = @transform_1, window_bounds = array<i64: 1000, 16>}, {transform_indices = @transform_2, window_bounds = array<i64: 1000, 16>}, {pipeline_mode = #tpu.pipeline_mode<synchronous>, transform_indices = @transform_3, window_bounds = array<i64: 16, 640>}, {pipeline_mode = #tpu.pipeline_mode<synchronous>, transform_indices = @transform_4, window_bounds = array<i64: 1, 640>}, {transform_indices = @transform_5, window_bounds = array<i64: 1000, 640>}]} {
    %get3A = arith.constant 0 : index
    %get3A_0 = arith.constant 0 : index
    %get3A_1 = vector.load %arg3[%get3A, %get3A_0] : memref<1000x16xf32, #tpu.memory_space<vmem>>, vector<1000x16xf32>
    %get3A_2 = arith.constant 0 : index
    %get3A_3 = arith.constant 0 : index
    %get3A_4 = arith.constant 0 : index
    %get3A_5 = vector.load %arg1[%get3A_2, %get3A_3, %get3A_4] : memref<2x1000x16xf32, #tpu.memory_space<vmem>>, vector<1x1000x16xf32>
    %get3A_6 = vector.shape_cast %get3A_5 : vector<1x1000x16xf32> to vector<1000x16xf32>
    %get3A_7 = arith.constant 1 : index
    %get3A_8 = arith.constant 0 : index
    %get3A_9 = arith.constant 0 : index
    %get3A_10 = vector.load %arg1[%get3A_7, %get3A_8, %get3A_9] : memref<2x1000x16xf32, #tpu.memory_space<vmem>>, vector<1x1000x16xf32>
    %get3A_11 = vector.shape_cast %get3A_10 : vector<1x1000x16xf32> to vector<1000x16xf32>
    %add3A = arith.addf %get3A_6, %get3A_11 : vector<1000x16xf32>
    %get3A_12 = arith.constant 0 : index
    %get3A_13 = arith.constant 0 : index
    %get3A_14 = vector.load %arg2[%get3A_12, %get3A_13] : memref<1000x16xf32, #tpu.memory_space<vmem>>, vector<1000x16xf32>
    %add3A_15 = arith.addf %add3A, %get3A_14 : vector<1000x16xf32>
    %mul3A = arith.mulf %get3A_1, %add3A_15 : vector<1000x16xf32>
    %get3A_16 = arith.constant 0 : index
    %get3A_17 = arith.constant 0 : index
    %get3A_18 = vector.load %arg4[%get3A_16, %get3A_17] : memref<16x640xf32, #tpu.memory_space<vmem>>, vector<16x640xf32>
    %dot_general3A = arith.constant dense<0.000000e+00> : vector<1000x640xf32>
    %dot_general3A_19 = tpu.matmul %mul3A, %get3A_18, %dot_general3A {dimension_numbers = #tpu.dot_dimension_numbers<[1], [0], [0], [1], [0, 0, 1, 1], [], []>, transpose_lhs_hint = false} : vector<1000x16xf32>, vector<16x640xf32>, vector<1000x640xf32> -> vector<1000x640xf32>
    %get3A_20 = arith.constant 0 : index
    %get3A_21 = arith.constant 0 : index
    %get3A_22 = vector.load %arg5[%get3A_20, %get3A_21] : memref<1x640xf32, #tpu.memory_space<vmem>>, vector<1x640xf32>
    %add3A_23 = vector.broadcast %get3A_22 : vector<1x640xf32> to vector<1000x640xf32>
    %add3A_24 = arith.addf %dot_general3A_19, %add3A_23 : vector<1000x640xf32>
    %swap3A = arith.constant 0 : index
    %swap3A_25 = arith.constant 0 : index
    %swap3A_26 = vector.load %arg6[%swap3A, %swap3A_25] : memref<1000x640xf32, #tpu.memory_space<vmem>>, vector<1000x640xf32>
    tpu.vector_store %arg6[%swap3A, %swap3A_25], %add3A_24 {strides = array<i32>} : memref<1000x640xf32, #tpu.memory_space<vmem>>, vector<1000x640xf32>,
    return
  }
  func.func @transform_0(%arg0: i32) -> (i32, i32, i32) {
    %c0_i32 = arith.constant 0 : i32
    %c0_i32_0 = arith.constant 0 : i32
    %c0_i32_1 = arith.constant 0 : i32
    return %c0_i32, %arg0, %c0_i32_0 : i32, i32, i32
  }
  func.func @transform_1(%arg0: i32) -> (i32, i32) {
    %c0_i32 = arith.constant 0 : i32
    %c0_i32_0 = arith.constant 0 : i32
    return %arg0, %c0_i32 : i32, i32
  }
  func.func @transform_2(%arg0: i32) -> (i32, i32) {
    %c0_i32 = arith.constant 0 : i32
    %c0_i32_0 = arith.constant 0 : i32
    return %arg0, %c0_i32 : i32, i32
  }
  func.func @transform_3(%arg0: i32) -> (i32, i32) {
    %c0_i32 = arith.constant 0 : i32
    %c0_i32_0 = arith.constant 0 : i32
    %c0_i32_1 = arith.constant 0 : i32
    return %c0_i32, %c0_i32_0 : i32, i32
  }
  func.func @transform_4(%arg0: i32) -> (i32, i32) {
    %c0_i32 = arith.constant 0 : i32
    %c0_i32_0 = arith.constant 0 : i32
    %c0_i32_1 = arith.constant 0 : i32
    return %c0_i32, %c0_i32_0 : i32, i32
  }
  func.func @transform_5(%arg0: i32) -> (i32, i32) {
    %c0_i32 = arith.constant 0 : i32
    %c0_i32_0 = arith.constant 0 : i32
    return %arg0, %c0_i32 : i32, i32
  }
}

</mosaic_0001>

<sc_bundles>
// kernel: kernel.10.cloned.1.call-start
scs
__scs_entry_jumppad:
0x0: {  	(pc) =	sbr.rel $0x88, $3  }
0x1: {  	(tag) =	ssettag $0x0;
	lr =	simm.s32 $0x1  }
0x2: {  	[smem:$0x3F99] =	sst lr;
	_ =	strace $0xD0000000  }
0x3: {  	_ = 	snop  }
0x4: {  	_ = 	snop  }
0x5: {  	_ = 	snop  }
0x6: {  	_ = 	snop  }
0x7: {  	_ = 	snop  }
__scs_overlays_trampoline_lowered:
0x8: {  	[smem:$0x3FA8] =	sst s0  }
0x9: {  	[smem:$0x3FA9] =	sst s1  }
0xa: {  	[smem:$0x3FAA] =	sst s2  }
0xb: {  	[smem:$0x3FAB] =	sst s3  }
0xc: {  	[smem:$0x3FAC] =	sst s4  }
0xd: {  	[smem:$0x3FAD] =	sst s5  }
0xe: {  	[smem:$0x3FAE] =	sst s6  }
0xf: {  	[smem:$0x3FAF] =	sst s7  }
0x10: {  	[smem:$0x3FB0] =	sst s8  }
0x11: {  	[smem:$0x3FB1] =	sst s9;
	s0 =	simm.s32 @!p0 $0x0  }
0x12: {  	s1 =	sld [smem:$0x3F97];
	s0 =	simm.s32 @p0 $0x1  }
0x13: {  	[smem:$0x3FB2] =	sst s0;
	s0 =	simm.s32 @!p1 $0x0  }
0x14: {  	s2 =	sld [smem:$0x3F96];
	s0 =	simm.s32 @p1 $0x1  }
0x15: {  	[smem:$0x3FB3] =	sst s0;
	s0 =	simm.s32 @!p2 $0x0  }
0x16: {  	s3 =	sld [smem:$0x3FDB];
	s0 =	simm.s32 @p2 $0x1  }
0x17: {  	s4 =	simm.s32 $0x1BF5;
	[smem:$0x3FB5] =	sst s0  }
0x18: {  	s0 =	sld [smem:$0x3F98];
	_ =	swait.ge [sflag:s4], $0x0  }
0x19: {  	s7 =	sld [smem:$0x3F99]  }
0x1a: {  	s8 =	sadd.s32 $0xFFFFE003, lr  }
0x1b: {  	s9 =	sadd.s32 $0xFFFFFEF7, lr;
	s5 =	simm.s32 $0xFFFFFFFF;
	p2 =	slt.u32 s8, $0xFFFFF086  }
0x1c: {  	p1 =	slt.u32 s9, $0xF7A;
	s5 =	simm.s32 @!p2 $0x0  }
0x1d: {  	s5 =	simm.s32 @p1 $0x1;
	p0 =	seq.s32 s7, s2  }
0x1e: {  	s7 =	smul.u32 @!p0 $0xF7A, s2;
	p2 =	seq.s32 @!p0 s5, $0x0  }
0x1f: {  	s9 =	smul.u32 $0xF7A, s1;
	s8 =	simm.s32 @!p0 $0x1BF5;
	p2 =	por !p2, p0  }
0x20: {  	[sflag:s8] =	ssyncset.s32 @!p0 $0xFFFFF086;
	s6 =	sadd.s32 @!p0 s3, s7;
	s7 =	simm.s32 @!p0 $0x108  }
0x21: {  	s3 =	sadd.s32 s3, s9;
	s6 =	sadd.s32 @!p0 $0x88, s6;
	s7 =	simm.s32 @p2 $0x1082  }
0x22: {  	[simem:s7], [sflag:s8] =	dma.local @!p0 [hbm:s6], $0xF7A  }
0x23: {  	s9 =	sor.u32 $0xD0000000, s2;
	s6 =	simm.s32 $0x108;
	_ =	swait.ge @!p0 [sflag:s8], $0x0  }
0x24: {  	s3 =	sadd.s32 $0x88, s3;
	s6 =	simm.s32 @!p1 $0x1082;
	[sflag:s4] =	ssyncset.s32 $0xFFFFF086  }
0x25: {  	[simem:s6], [sflag:s4] =	dma.local [hbm:s3], $0xF7A  }
0x26: {  	[smem:$0x3F99] =	sst s1;
	(tag) =	ssettag s2;
	_ =	strace s9  }
0x27: {  	s1 =	sld [smem:$0x3FA9]  }
0x28: {  	s2 =	sld [smem:$0x3FAA]  }
0x29: {  	s4 =	sld [smem:$0x3FAC]  }
0x2a: {  	p0 =	seq.s32 s5, $0x0;
	s5 =	sld [smem:$0x3FAD]  }
0x2b: {  	s6 =	sld [smem:$0x3FAE]  }
0x2c: {  	s7 =	sld [smem:$0x3FAF]  }
0x2d: {  	s3 =	simm.s32 $0x108;
	s8 =	sld [smem:$0x3FB0]  }
0x2e: {  	s3 =	simm.s32 @!p0 $0x1082;
	s9 =	sld [smem:$0x3FB1]  }
0x2f: {  	lr =	sadd.s32 s0, s3;
	s0 =	sld [smem:$0x3FA8]  }
0x30: {  	s3 =	sld [smem:$0x3FAB]  }
0x31: {  	[smem:$0x3FB4] =	sst s10  }
0x32: {  	s10 =	sld [smem:$0x3FB2];
	_ =	sdelay $0x3  }
0x33: {  	p0 =	seq.s32 s10, $0x1;
	s10 =	sld [smem:$0x3FB4];
	_ =	sdelay $0x3  }
0x34: {  	[smem:$0x3FB4] =	sst s10  }
0x35: {  	s10 =	sld [smem:$0x3FB3];
	_ =	sdelay $0x3  }
0x36: {  	p1 =	seq.s32 s10, $0x1;
	s10 =	sld [smem:$0x3FB4];
	_ =	sdelay $0x3  }
0x37: {  	[smem:$0x3FB4] =	sst s10  }
0x38: {  	s10 =	sld [smem:$0x3FB5]  }
0x39: {  	_ = 	snop;
	(pc) =	sbr.ind lr, $3  }
0x3a: {  	_ = 	snop  }
0x3b: {  	_ = 	snop  }
0x3c: {  	p2 =	seq.s32 s10, $0x1;
	s10 =	sld [smem:$0x3FB4]  }
0x3d: {  	_ =	shalt  }
0x3e: {  	_ =	shalt  }
0x3f: {  	_ =	shalt  }
0x40: {  	_ =	shalt  }
0x41: {  	_ =	shalt  }
0x42: {  	_ =	shalt  }
0x43: {  	_ =	shalt  }
0x44: {  	_ =	shalt  }
0x45: {  	_ =	shalt  }
0x46: {  	_ =	shalt  }
0x47: {  	_ =	shalt  }
0x48: {  	_ =	shalt  }
0x49: {  	_ =	shalt  }
0x4a: {  	_ =	shalt  }
0x4b: {  	_ =	shalt  }
0x4c: {  	_ =	shalt  }
0x4d: {  	_ =	shalt  }
0x4e: {  	_ =	shalt  }
0x4f: {  	_ =	shalt  }
0x50: {  	_ =	shalt  }
0x51: {  	_ =	shalt  }
0x52: {  	_ =	shalt  }
0x53: {  	_ =	shalt  }
0x54: {  	_ =	shalt  }
0x55: {  	_ =	shalt  }
0x56: {  	_ =	shalt  }
0x57: {  	_ =	shalt  }
0x58: {  	_ =	shalt  }
0x59: {  	_ =	shalt  }
0x5a: {  	_ =	shalt  }
0x5b: {  	_ =	shalt  }
0x5c: {  	_ =	shalt  }
0x5d: {  	_ =	shalt  }
0x5e: {  	_ =	shalt  }
0x5f: {  	_ =	shalt  }
0x60: {  	_ =	shalt  }
0x61: {  	_ =	shalt  }
0x62: {  	_ =	shalt  }
0x63: {  	_ =	shalt  }
0x64: {  	_ =	shalt  }
0x65: {  	_ =	shalt  }
0x66: {  	_ =	shalt  }
0x67: {  	_ =	shalt  }
0x68: {  	_ =	shalt  }
0x69: {  	_ =	shalt  }
0x6a: {  	_ =	shalt  }
0x6b: {  	_ =	shalt  }
0x6c: {  	_ =	shalt  }
0x6d: {  	_ =	shalt  }
0x6e: {  	_ =	shalt  }
0x6f: {  	_ =	shalt  }
0x70: {  	_ =	shalt  }
0x71: {  	_ =	shalt  }
0x72: {  	_ =	shalt  }
0x73: {  	_ =	shalt  }
0x74: {  	_ =	shalt  }
0x75: {  	_ =	shalt  }
0x76: {  	_ =	shalt  }
0x77: {  	_ =	shalt  }
0x78: {  	_ =	shalt  }
0x79: {  	_ =	shalt  }
0x7a: {  	_ =	shalt  }
0x7b: {  	_ =	shalt  }
0x7c: {  	_ =	shalt  }
0x7d: {  	_ =	shalt  }
0x7e: {  	_ =	shalt  }
0x7f: {  	_ =	shalt  }
0x80: {  	_ =	shalt  }
0x81: {  	_ =	shalt  }
0x82: {  	_ =	shalt  }
0x83: {  	_ =	shalt  }
0x84: {  	_ =	shalt  }
0x85: {  	_ =	shalt  }
0x86: {  	_ =	shalt  }
0x87: {  	_ =	shalt  }
.Lfunc_end0:
.L_simem_size_0:
called_computation_lowered:
.L_overlay_start_0:
0x88: {  	s2 =	sld [smem:$0x3FD9]  }
0x89: {  	s3 =	sld [smem:$0x3FFE];
	_ =	sdelay $0x1  }
0x8a: {  	s1 =	srdreg.scid  }
0x8b: {  	s0 =	sand.u32 $0x1, s1  }
0x8c: {  	s17 =	sshll.u32 s0, $0xA;
	s2 =	sadd.s32 s3, s2  }
0x8d: {  	s2 =	sadd.s32 s2, s17  }
0x8e: {  	[smem:$0x3FC0] =	sst s2  }
0x8f: {  	_ = 	snop  }
0x90: {  	s2 =	sld [smem:$0x3FD0];
	(tm) =	ssettm $0x1  }
0x91: {  	s18 =	sld [smem:$0x3FFB];
	_ =	sdelay $0x3  }
0x92: {  	_ =	strace s18  }
0x93: {  	s3 =	sld [smem:$0x3FFC];
	_ =	sdelay $0x3  }
0x94: {  	_ =	strace s3  }
0x95: {  	s3 =	sld [smem:$0x3FFD];
	_ =	sdelay $0x3  }
0x96: {  	_ =	strace s3  }
0x97: {  	_ =	strace $0x8FFFFFFF  }
0x98: {  	s19 =	sld [smem:$0x3FDB];
	_ =	sdelay $0x1  }
0x99: {  	s4 =	simm.s32 $_scs_section_size  }
0x9a: {  	s5 =	simm.s32 $_size__tile_overlayer_lowered;
	s6 =	simm.s32 $_tile_overlayer_lowered  }
0x9b: {  	s22 =	simm.s32 $0x1BFF;
	s21 =	sshll.u32 s6, $0x1;
	s3 =	sadd.s32 s4, s19  }
0x9c: {  	s7 =	simm.s32 $0x0;
	s20 =	sshll.u32 s5, $0x1;
	s5 =	sadd.s32 s21, s3  }
0x9d: {  	[timem:s7], [sflag:s22] =	dma.local [hbm:s5], s20  }
0x9e: {  	_ =	swait.ge [sflag:s22], s20  }
0x9f: {  	s4 =	ssub.s32 $0x0, s20;
	[sflag:s22] =	ssyncset.done $0x0  }
0xa0: {  	[sflag:s22] =	ssyncadd.s32 s4;
	_ =	sdelay $0x1  }
0xa1: {  	s23 =	simm.s32 $0x1B8B  }
0xa2: {  	_ =	swait.ge [sflag:s23], $0x1  }
0xa3: {  	[sflag:s23] =	ssyncset.done $0x0  }
0xa4: {  	s25 =	simm.s32 $0x1B8E;
	s24 =	sld [smem:$0x3FFE];
	[sflag:s23] =	ssyncadd.s32 $0xFFFFFFFF  }
0xa5: {  	s26 =	simm.s32 $execute0_lowered;
	[smem:$0x3FD2] =	sst s25  }
0xa6: {  	s5 =	sshll.u32 s26, $0x1;
	_ =	strace $0x80000046;
	[dreg:$0x1] =	wrdreg $0xFFFFFFFF  }
0xa7: {  	s28 =	simm.s32 $_size_execute0_lowered;
	s3 =	sadd.s32 s3, s5;
	[dreg:$0x0] =	wrdreg $0x0  }
0xa8: {  	s5 =	sshll.u32 s28, $0x1;
	[dreg:$0x2] =	wrdreg s3  }
0xa9: {  	[dreg:$0x3] =	wrdreg s5  }
0xaa: {  	[dreg:$0x4] =	wrdreg $0xC0  }
0xab: {  	_ =	task [dreg:s7], $0x5FFFF  }
0xac: {  	[dreg:$0x1] =	wrdreg $0xFFFFFFFF  }
0xad: {  	[dreg:$0x0] =	wrdreg $0x60  }
0xae: {  	[dreg:$0x2] =	wrdreg s24  }
0xaf: {  	[dreg:$0x3] =	wrdreg s2  }
0xb0: {  	[dreg:$0x4] =	wrdreg $0x0  }
0xb1: {  	[dreg:$0x5] =	wrdreg $0x9  }
0xb2: {  	_ =	task.clear_ibuf [dreg:s7], $0x6FFFF;
	_ =	strace $0x90000046  }
0xb3: {  	s29 =	simm.s32 $0x9;
	_ =	strace $0x80000048  }
0xb4: {  	_ =	swait.ge [sflag:s29], $0x1  }
0xb5: {  	[sflag:s29] =	ssyncadd.s32 $0xFFFFFFFF  }
0xb6: {  	_ =	strace $0x90000048  }
0xb7: {  	_ =	sfence  }
0xb8: {  	s30 =	sld [smem:$0x0];
	_ =	sdelay $0x2  }
0xb9: {  	s31 =	sshll.u32 s1, $0xD;
	s1 =	sshrl.u32 s1, $0x2  }
0xba: {  	s3 =	sand.u32 $0x4000, s31;
	s1 =	sadd.s32 s1, s30  }
0xbb: {  	s0 =	sor.u32 s3, s0;
	s1 =	sshll.u32 s1, $0x11  }
0xbc: {  	s0 =	sor.u32 s1, s0  }
0xbd: {  	s0 =	sadd.s32 $0x8F2B, s0  }
0xbe: {  	[sflag:s0] =	ssyncadd.remote.s32 $0x1  }
0xbf: {  	_ =	sfence.sel $0xFFFF  }
0xc0: {  	[dreg:$0x0] =	wrdreg $0xFFFFFFFF;
	(pc) =	sbr.abs _section_cstart, $3  }
0xc1: {  	[dreg:$0x1] =	wrdreg $0xFFFFFFFF  }
0xc2: {  	_ =	task.clear_ibuf [dreg:s7], $0x2FFFF;
	_ =	strace $0x9FFFFFFF  }
0xc3: {  	(tm) =	ssettm $0x7FFFFFFF  }
tec
execute0_lowered:
.L_overlay_start_1:
0x0: {  	(tag) =	ssettag $0x1  }
0x1: {  	s4 =	rddreg [dreg:$0x0]  }
0x2: {  	s5 =	rddreg [dreg:$0x1]  }
0x3: {  	s0 =	srdreg.scid;
	s1 =	stileid.u32  }
0x4: {  	s2 =	rddreg [dreg:$0x2];
	s3 =	simm.s32 $0x0;
	s8 =	smul.u32 $0x2780, s1  }
0x5: {  	s12 =	simm.s32 $0x2800;
	s6 =	sand.u32 $0x1, s0;
	s11 =	smul.u32 $0x280, s1  }
0x6: {  	s13 =	simm.s32 $0x0;
	s0 =	rddreg [dreg:$0x3];
	s7 =	smul.u32 $0x2800, s6  }
0x7: {  	[smem:$0x7FF] =	sst s3;
	s9 =	ssub.s32 $0x2, s6;
	s6 =	smul.u32 $0x27800, s6  }
0x8: {  	_ =	strace $0x80000047;
	s10 =	sshrl.u32 s9, $0x1;
	s7 =	sadd.s32 s7, s4  }
0x9: {  	s9 =	ssub.s32 s9, s10;
	s6 =	sadd.s32 s8, s6;
	s4 =	sadd.s32 s8, s2  }
0xa: {  	s8 =	simm.s32 $0x3000;
	s10 =	simm.s32 $0x2780;
	s6 =	sshrl.u32 s6, $0x3  }
0xb: {  	s7 =	sadd.s32 s11, s7;
	s11 =	simm.s32 $0x80;
	s5 =	sadd.s32 s5, s6  }
0xc: {  	v0 =	vimm.f32 $0.0e+00;
	v1 =	vimm.f32 $1.000000000e+00;
	s6 =	smax.u32 s9, $0x1;
	s7 =	sadd.s32 $0x6800, s7;
	s9 =	simm.s32 $0x1  }
.LBB2_1:
0xd: {  	s14 =	simm.s32 $0x40;
	s15 =	simm.s32 $0x0  }
.LBB2_2:
0xe: {  	p0 =	sne.s32 s14, $0x9DC0;
	[tilespmem:s15+$0x3000] =	vst v0;
	s15 =	smov.u32 s14;
	s14 =	sadd.s32 $0x40, s14  }
.Ltmp0:
0xf: {  	(pc) =	sbr.rel @p0 .LBB2_2-.Ltmp0, $2  }
0x10: {  	_ =	sdelay $0x2  }
0x11: {  	s15 =	sshra.s32 s15, $0x2  }
0x12: {  	[tilespmem:s15+$0x3000] =	vst v0  }
0x13: {  	[spmem:s4] =	stream.linear.scatter [tilespmem:s8], [sflag:$0x1], $0x2780, $0x38;
	[tilespmem:$0x5780] =	vst v63  }
0x14: {  	_ =	swait.ge [sflag:s9], $0x2780  }
0x15: {  	[sflag:s9] =	ssyncset.done $0x0  }
0x16: {  	s14 =	simm.s32 $0x40;
	s15 =	simm.s32 $0x0;
	[sflag:s9] =	ssyncadd.s32 $0xFFFFD880  }
.LBB2_4:
0x17: {  	p0 =	sne.s32 s14, $0x1FC0;
	[tilespmem:s15+$0x2800] =	vst v1;
	s15 =	smov.u32 s14;
	s14 =	sadd.s32 $0x40, s14  }
.Ltmp1:
0x18: {  	(pc) =	sbr.rel @p0 .LBB2_4-.Ltmp1, $2  }
0x19: {  	_ =	sdelay $0x2  }
0x1a: {  	s15 =	sshra.s32 s15, $0x2  }
0x1b: {  	[tilespmem:s15+$0x2800] =	vst v1  }
0x1c: {  	s14 =	sadd.s32 $0x0, s7;
	[bflag:$0x0] =	sbarrier.arrive $0xFFFF  }
0x1d: {  	[tilespmem:s10], [sflag:$0x1] =	stream.linear.gather [hbm4b:s14+s3], $0x80, $0x38;
	[tilespmem:$0x5780] =	vst v63  }
0x1e: {  	_ =	swait.ge [sflag:s9], $0x80  }
0x1f: {  	[sflag:s9] =	ssyncset.done $0x0  }
0x20: {  	[sflag:s9] =	ssyncadd.s32 $0xFFFFFF80  }
0x21: {  	[spmem:s2] =	stream.indirect.scatter.add.f32 [tilespmem:s12], [sflag:$0x1], $0x10, s10, s11, $0xb8;
	[tilespmem:$0x5780] =	vst v63  }
0x22: {  	_ =	swait.ge [sflag:s9], $0x800  }
0x23: {  	s15 =	simm.s32 $0x20;
	s14 =	simm.s32 $0x10;
	[sflag:s9] =	ssyncset.done $0x0  }
.LBB2_6:
0x24: {  	s16 =	sadd.s32 s14, s7  }
0x25: {  	[sflag:s9] =	ssyncadd.s32 $0xFFFFF800;
	s14 =	smov.u32 s15;
	s17 =	sadd.s32 $0x10, s15  }
0x26: {  	[tilespmem:s10], [sflag:$0x1] =	stream.linear.gather [hbm4b:s16+s3], $0x80, $0x38;
	[tilespmem:$0x5780] =	vst v63  }
0x27: {  	p0 =	sne.s32 s15, $0x270;
	_ =	swait.ge [sflag:s9], $0x80  }
.Ltmp2:
0x28: {  	[sflag:s9] =	ssyncset.done $0x0;
	(pc) =	sbr.rel @p0 .LBB2_6-.Ltmp2, $4  }
0x29: {  	[sflag:s9] =	ssyncadd.s32 $0xFFFFFF80  }
0x2a: {  	[spmem:s2] =	stream.indirect.scatter.add.f32 [tilespmem:s12], [sflag:$0x1], $0x10, s10, s11, $0xb8;
	[tilespmem:$0x5780] =	vst v63  }
0x2b: {  	_ =	swait.ge [sflag:s9], $0x800  }
0x2c: {  	s15 =	smov.u32 s17;
	[sflag:s9] =	ssyncset.done $0x0  }
0x2d: {  	s14 =	sadd.s32 s14, s7;
	[sflag:s9] =	ssyncadd.s32 $0xFFFFF800  }
0x2e: {  	[tilespmem:s10], [sflag:$0x1] =	stream.linear.gather [hbm4b:s14+s3], $0x80, $0x38;
	[tilespmem:$0x5780] =	vst v63  }
0x2f: {  	_ =	swait.ge [sflag:s9], $0x80  }
0x30: {  	[sflag:s9] =	ssyncset.done $0x0  }
0x31: {  	[sflag:s9] =	ssyncadd.s32 $0xFFFFFF80  }
0x32: {  	[spmem:s2] =	stream.indirect.scatter.add.f32 [tilespmem:s12], [sflag:$0x1], $0x10, s10, s11, $0xb8;
	[tilespmem:$0x5780] =	vst v63  }
0x33: {  	_ =	swait.ge [sflag:s9], $0x800  }
0x34: {  	[sflag:s9] =	ssyncset.done $0x0  }
0x35: {  	[sflag:s9] =	ssyncadd.s32 $0xFFFFF800  }
0x36: {  	[bflag:$0x0] =	sbarrier.arrive $0xFFFF  }
0x37: {  	[tilespmem:s8], [sflag:$0x1] =	stream.linear.gather [spmem:s4], $0x2780, $0x38;
	[tilespmem:$0x5780] =	vst v63  }
0x38: {  	s13 =	sadd.s32 $0x1, s13;
	_ =	swait.ge [sflag:s9], $0x2780  }
0x39: {  	p0 =	sne.s32 s13, s6;
	[sflag:s9] =	ssyncset.done $0x0  }
.Ltmp3:
0x3a: {  	[sflag:s9] =	ssyncadd.s32 $0xFFFFD880;
	(pc) =	sbr.rel @p0 .LBB2_1-.Ltmp3, $4  }
0x3b: {  	[hbm4b:s5+s3] =	stream.linear.scatter [tilespmem:s8], [sflag:$0x1], $0x2780, $0x38;
	[tilespmem:$0x5780] =	vst v63  }
0x3c: {  	_ =	swait.ge [sflag:s9], $0x2780  }
0x3d: {  	[sflag:s9] =	ssyncset.done $0x0  }
0x3e: {  	[sflag:s9] =	ssyncadd.s32 $0xFFFFD880  }
0x3f: {  	_ =	sfence.sel $0x180000  }
0x40: {  	[bflag:$0x0] =	sbarrier.arrive $0xFFFF  }
0x41: {  	p0 =	sne.s32 s1, $0x0;
	_ =	strace $0x90000047  }
0x42: {  	s0 =	sadd.s32 @!p0 $0x100000, s0;
	[bflag:$0x2] =	sbarrier.arrive $0xFFFF  }
0x43: {  	[sflag:s0] =	ssyncadd.tile.s32 @!p0 $0x1;
	_ =	shalt  }
.Lfunc_end2:
_tile_overlayer_lowered:
.L_overlay_start_2:
0x44: {  	(tag) =	ssettag $0x2  }
0x45: {  	s0 =	rddreg [dreg:$0x0];
	s2 =	stileid.u32  }
0x46: {  	s1 =	rddreg [dreg:$0x1];
	p0 =	sne.s32 s2, $0x0  }
0x47: {  	s3 =	rddreg [dreg:$0x2];
	[bflag:$0x3] =	sbarrier.arrive $0xFFFF;
	s2 =	simm.s32 @!p0 $0x1C01  }
0x48: {  	[timem:s3], [sflag:s2] =	dma.local @!p0 [hbm:s0], s1  }
0x49: {  	s0 =	simm.s32 @!p0 $0x1  }
0x4a: {  	_ =	swait.ge @!p0 [sflag:s0], s1  }
0x4b: {  	s1 =	ssub.s32 @!p0 $0x0, s1;
	[sflag:s0] =	ssyncset.done @!p0 $0x0  }
0x4c: {  	[sflag:s0] =	ssyncadd.s32 @!p0 s1  }
0x4d: {  	[bflag:$0x3] =	sbarrier.arrive $0xFFFF  }
0x4e: {  	_ =	shalt  }

// kernel: kernel.13.cloned.1.call-start
scs
__scs_entry_jumppad:
0x0: {  	(pc) =	sbr.rel $0x88, $3  }
0x1: {  	(tag) =	ssettag $0x0;
	lr =	simm.s32 $0x1  }
0x2: {  	[smem:$0x3F99] =	sst lr;
	_ =	strace $0xD0000000  }
0x3: {  	_ = 	snop  }
0x4: {  	_ = 	snop  }
0x5: {  	_ = 	snop  }
0x6: {  	_ = 	snop  }
0x7: {  	_ = 	snop  }
__scs_overlays_trampoline_lowered:
0x8: {  	[smem:$0x3FA8] =	sst s0  }
0x9: {  	[smem:$0x3FA9] =	sst s1  }
0xa: {  	[smem:$0x3FAA] =	sst s2  }
0xb: {  	[smem:$0x3FAB] =	sst s3  }
0xc: {  	[smem:$0x3FAC] =	sst s4  }
0xd: {  	[smem:$0x3FAD] =	sst s5  }
0xe: {  	[smem:$0x3FAE] =	sst s6  }
0xf: {  	[smem:$0x3FAF] =	sst s7  }
0x10: {  	[smem:$0x3FB0] =	sst s8  }
0x11: {  	[smem:$0x3FB1] =	sst s9;
	s0 =	simm.s32 @!p0 $0x0  }
0x12: {  	s1 =	sld [smem:$0x3F97];
	s0 =	simm.s32 @p0 $0x1  }
0x13: {  	[smem:$0x3FB2] =	sst s0;
	s0 =	simm.s32 @!p1 $0x0  }
0x14: {  	s2 =	sld [smem:$0x3F96];
	s0 =	simm.s32 @p1 $0x1  }
0x15: {  	[smem:$0x3FB3] =	sst s0;
	s0 =	simm.s32 @!p2 $0x0  }
0x16: {  	s3 =	sld [smem:$0x3FDB];
	s0 =	simm.s32 @p2 $0x1  }
0x17: {  	s4 =	simm.s32 $0x1BF5;
	[smem:$0x3FB5] =	sst s0  }
0x18: {  	s0 =	sld [smem:$0x3F98];
	_ =	swait.ge [sflag:s4], $0x0  }
0x19: {  	s7 =	sld [smem:$0x3F99]  }
0x1a: {  	s8 =	sadd.s32 $0xFFFFE003, lr  }
0x1b: {  	s9 =	sadd.s32 $0xFFFFFEF7, lr;
	s5 =	simm.s32 $0xFFFFFFFF;
	p2 =	slt.u32 s8, $0xFFFFF086  }
0x1c: {  	p1 =	slt.u32 s9, $0xF7A;
	s5 =	simm.s32 @!p2 $0x0  }
0x1d: {  	s5 =	simm.s32 @p1 $0x1;
	p0 =	seq.s32 s7, s2  }
0x1e: {  	s7 =	smul.u32 @!p0 $0xF7A, s2;
	p2 =	seq.s32 @!p0 s5, $0x0  }
0x1f: {  	s9 =	smul.u32 $0xF7A, s1;
	s8 =	simm.s32 @!p0 $0x1BF5;
	p2 =	por !p2, p0  }
0x20: {  	[sflag:s8] =	ssyncset.s32 @!p0 $0xFFFFF086;
	s6 =	sadd.s32 @!p0 s3, s7;
	s7 =	simm.s32 @!p0 $0x108  }
0x21: {  	s3 =	sadd.s32 s3, s9;
	s6 =	sadd.s32 @!p0 $0x88, s6;
	s7 =	simm.s32 @p2 $0x1082  }
0x22: {  	[simem:s7], [sflag:s8] =	dma.local @!p0 [hbm:s6], $0xF7A  }
0x23: {  	s9 =	sor.u32 $0xD0000000, s2;
	s6 =	simm.s32 $0x108;
	_ =	swait.ge @!p0 [sflag:s8], $0x0  }
0x24: {  	s3 =	sadd.s32 $0x88, s3;
	s6 =	simm.s32 @!p1 $0x1082;
	[sflag:s4] =	ssyncset.s32 $0xFFFFF086  }
0x25: {  	[simem:s6], [sflag:s4] =	dma.local [hbm:s3], $0xF7A  }
0x26: {  	[smem:$0x3F99] =	sst s1;
	(tag) =	ssettag s2;
	_ =	strace s9  }
0x27: {  	s1 =	sld [smem:$0x3FA9]  }
0x28: {  	s2 =	sld [smem:$0x3FAA]  }
0x29: {  	s4 =	sld [smem:$0x3FAC]  }
0x2a: {  	p0 =	seq.s32 s5, $0x0;
	s5 =	sld [smem:$0x3FAD]  }
0x2b: {  	s6 =	sld [smem:$0x3FAE]  }
0x2c: {  	s7 =	sld [smem:$0x3FAF]  }
0x2d: {  	s3 =	simm.s32 $0x108;
	s8 =	sld [smem:$0x3FB0]  }
0x2e: {  	s3 =	simm.s32 @!p0 $0x1082;
	s9 =	sld [smem:$0x3FB1]  }
0x2f: {  	lr =	sadd.s32 s0, s3;
	s0 =	sld [smem:$0x3FA8]  }
0x30: {  	s3 =	sld [smem:$0x3FAB]  }
0x31: {  	[smem:$0x3FB4] =	sst s10  }
0x32: {  	s10 =	sld [smem:$0x3FB2];
	_ =	sdelay $0x3  }
0x33: {  	p0 =	seq.s32 s10, $0x1;
	s10 =	sld [smem:$0x3FB4];
	_ =	sdelay $0x3  }
0x34: {  	[smem:$0x3FB4] =	sst s10  }
0x35: {  	s10 =	sld [smem:$0x3FB3];
	_ =	sdelay $0x3  }
0x36: {  	p1 =	seq.s32 s10, $0x1;
	s10 =	sld [smem:$0x3FB4];
	_ =	sdelay $0x3  }
0x37: {  	[smem:$0x3FB4] =	sst s10  }
0x38: {  	s10 =	sld [smem:$0x3FB5]  }
0x39: {  	_ = 	snop;
	(pc) =	sbr.ind lr, $3  }
0x3a: {  	_ = 	snop  }
0x3b: {  	_ = 	snop  }
0x3c: {  	p2 =	seq.s32 s10, $0x1;
	s10 =	sld [smem:$0x3FB4]  }
0x3d: {  	_ =	shalt  }
0x3e: {  	_ =	shalt  }
0x3f: {  	_ =	shalt  }
0x40: {  	_ =	shalt  }
0x41: {  	_ =	shalt  }
0x42: {  	_ =	shalt  }
0x43: {  	_ =	shalt  }
0x44: {  	_ =	shalt  }
0x45: {  	_ =	shalt  }
0x46: {  	_ =	shalt  }
0x47: {  	_ =	shalt  }
0x48: {  	_ =	shalt  }
0x49: {  	_ =	shalt  }
0x4a: {  	_ =	shalt  }
0x4b: {  	_ =	shalt  }
0x4c: {  	_ =	shalt  }
0x4d: {  	_ =	shalt  }
0x4e: {  	_ =	shalt  }
0x4f: {  	_ =	shalt  }
0x50: {  	_ =	shalt  }
0x51: {  	_ =	shalt  }
0x52: {  	_ =	shalt  }
0x53: {  	_ =	shalt  }
0x54: {  	_ =	shalt  }
0x55: {  	_ =	shalt  }
0x56: {  	_ =	shalt  }
0x57: {  	_ =	shalt  }
0x58: {  	_ =	shalt  }
0x59: {  	_ =	shalt  }
0x5a: {  	_ =	shalt  }
0x5b: {  	_ =	shalt  }
0x5c: {  	_ =	shalt  }
0x5d: {  	_ =	shalt  }
0x5e: {  	_ =	shalt  }
0x5f: {  	_ =	shalt  }
0x60: {  	_ =	shalt  }
0x61: {  	_ =	shalt  }
0x62: {  	_ =	shalt  }
0x63: {  	_ =	shalt  }
0x64: {  	_ =	shalt  }
0x65: {  	_ =	shalt  }
0x66: {  	_ =	shalt  }
0x67: {  	_ =	shalt  }
0x68: {  	_ =	shalt  }
0x69: {  	_ =	shalt  }
0x6a: {  	_ =	shalt  }
0x6b: {  	_ =	shalt  }
0x6c: {  	_ =	shalt  }
0x6d: {  	_ =	shalt  }
0x6e: {  	_ =	shalt  }
0x6f: {  	_ =	shalt  }
0x70: {  	_ =	shalt  }
0x71: {  	_ =	shalt  }
0x72: {  	_ =	shalt  }
0x73: {  	_ =	shalt  }
0x74: {  	_ =	shalt  }
0x75: {  	_ =	shalt  }
0x76: {  	_ =	shalt  }
0x77: {  	_ =	shalt  }
0x78: {  	_ =	shalt  }
0x79: {  	_ =	shalt  }
0x7a: {  	_ =	shalt  }
0x7b: {  	_ =	shalt  }
0x7c: {  	_ =	shalt  }
0x7d: {  	_ =	shalt  }
0x7e: {  	_ =	shalt  }
0x7f: {  	_ =	shalt  }
0x80: {  	_ =	shalt  }
0x81: {  	_ =	shalt  }
0x82: {  	_ =	shalt  }
0x83: {  	_ =	shalt  }
0x84: {  	_ =	shalt  }
0x85: {  	_ =	shalt  }
0x86: {  	_ =	shalt  }
0x87: {  	_ =	shalt  }
.Lfunc_end0:
.L_simem_size_0:
called_computation.1_lowered:
.L_overlay_start_0:
0x88: {  	s2 =	sld [smem:$0x3FD9]  }
0x89: {  	s3 =	sld [smem:$0x3FFE];
	_ =	sdelay $0x1  }
0x8a: {  	s1 =	srdreg.scid  }
0x8b: {  	s0 =	sand.u32 $0x1, s1  }
0x8c: {  	s17 =	sshll.u32 s0, $0xA;
	s2 =	sadd.s32 s3, s2  }
0x8d: {  	s2 =	sadd.s32 s2, s17  }
0x8e: {  	[smem:$0x3FC0] =	sst s2  }
0x8f: {  	_ = 	snop  }
0x90: {  	s2 =	sld [smem:$0x3FD0];
	(tm) =	ssettm $0x1  }
0x91: {  	s18 =	sld [smem:$0x3FFB];
	_ =	sdelay $0x3  }
0x92: {  	_ =	strace s18  }
0x93: {  	s3 =	sld [smem:$0x3FFC];
	_ =	sdelay $0x3  }
0x94: {  	_ =	strace s3  }
0x95: {  	s3 =	sld [smem:$0x3FFD];
	_ =	sdelay $0x3  }
0x96: {  	_ =	strace s3  }
0x97: {  	_ =	strace $0x8FFFFFFF  }
0x98: {  	s19 =	sld [smem:$0x3FDB];
	_ =	sdelay $0x1  }
0x99: {  	s4 =	simm.s32 $_scs_section_size  }
0x9a: {  	s5 =	simm.s32 $_size__tile_overlayer_lowered;
	s6 =	simm.s32 $_tile_overlayer_lowered  }
0x9b: {  	s22 =	simm.s32 $0x1BFF;
	s21 =	sshll.u32 s6, $0x1;
	s3 =	sadd.s32 s4, s19  }
0x9c: {  	s7 =	simm.s32 $0x0;
	s20 =	sshll.u32 s5, $0x1;
	s5 =	sadd.s32 s21, s3  }
0x9d: {  	[timem:s7], [sflag:s22] =	dma.local [hbm:s5], s20  }
0x9e: {  	_ =	swait.ge [sflag:s22], s20  }
0x9f: {  	s4 =	ssub.s32 $0x0, s20;
	[sflag:s22] =	ssyncset.done $0x0  }
0xa0: {  	[sflag:s22] =	ssyncadd.s32 s4;
	_ =	sdelay $0x1  }
0xa1: {  	s23 =	simm.s32 $0x1B8B  }
0xa2: {  	_ =	swait.ge [sflag:s23], $0x1  }
0xa3: {  	[sflag:s23] =	ssyncset.done $0x0  }
0xa4: {  	s25 =	simm.s32 $0x1B8E;
	s24 =	sld [smem:$0x3FFE];
	[sflag:s23] =	ssyncadd.s32 $0xFFFFFFFF  }
0xa5: {  	s26 =	simm.s32 $execute0_lowered;
	[smem:$0x3FD2] =	sst s25  }
0xa6: {  	s5 =	sshll.u32 s26, $0x1;
	_ =	strace $0x80000049;
	[dreg:$0x1] =	wrdreg $0xFFFFFFFF  }
0xa7: {  	s28 =	simm.s32 $_size_execute0_lowered;
	s3 =	sadd.s32 s3, s5;
	[dreg:$0x0] =	wrdreg $0x0  }
0xa8: {  	s5 =	sshll.u32 s28, $0x1;
	[dreg:$0x2] =	wrdreg s3  }
0xa9: {  	[dreg:$0x3] =	wrdreg s5  }
0xaa: {  	[dreg:$0x4] =	wrdreg $0xC0  }
0xab: {  	_ =	task [dreg:s7], $0x5FFFF  }
0xac: {  	[dreg:$0x1] =	wrdreg $0xFFFFFFFF  }
0xad: {  	[dreg:$0x0] =	wrdreg $0x60  }
0xae: {  	[dreg:$0x2] =	wrdreg s24  }
0xaf: {  	[dreg:$0x3] =	wrdreg s2  }
0xb0: {  	[dreg:$0x4] =	wrdreg $0x0  }
0xb1: {  	[dreg:$0x5] =	wrdreg $0x9  }
0xb2: {  	_ =	task.clear_ibuf [dreg:s7], $0x6FFFF;
	_ =	strace $0x90000049  }
0xb3: {  	s29 =	simm.s32 $0x9;
	_ =	strace $0x8000004B  }
0xb4: {  	_ =	swait.ge [sflag:s29], $0x1  }
0xb5: {  	[sflag:s29] =	ssyncadd.s32 $0xFFFFFFFF  }
0xb6: {  	_ =	strace $0x9000004B  }
0xb7: {  	_ =	sfence  }
0xb8: {  	s30 =	sld [smem:$0x0];
	_ =	sdelay $0x2  }
0xb9: {  	s31 =	sshll.u32 s1, $0xD;
	s1 =	sshrl.u32 s1, $0x2  }
0xba: {  	s3 =	sand.u32 $0x4000, s31;
	s1 =	sadd.s32 s1, s30  }
0xbb: {  	s0 =	sor.u32 s3, s0;
	s1 =	sshll.u32 s1, $0x11  }
0xbc: {  	s0 =	sor.u32 s1, s0  }
0xbd: {  	s0 =	sadd.s32 $0x8F2B, s0  }
0xbe: {  	[sflag:s0] =	ssyncadd.remote.s32 $0x1  }
0xbf: {  	_ =	sfence.sel $0xFFFF  }
0xc0: {  	[dreg:$0x0] =	wrdreg $0xFFFFFFFF;
	(pc) =	sbr.abs _section_cstart, $3  }
0xc1: {  	[dreg:$0x1] =	wrdreg $0xFFFFFFFF  }
0xc2: {  	_ =	task.clear_ibuf [dreg:s7], $0x2FFFF;
	_ =	strace $0x9FFFFFFF  }
0xc3: {  	(tm) =	ssettm $0x7FFFFFFF  }
tec
execute0_lowered:
.L_overlay_start_1:
0x0: {  	(tag) =	ssettag $0x1  }
0x1: {  	s6 =	rddreg [dreg:$0x0]  }
0x2: {  	s7 =	rddreg [dreg:$0x1]  }
0x3: {  	s0 =	srdreg.scid;
	s2 =	rddreg [dreg:$0x2];
	s3 =	simm.s32 $0x0  }
0x4: {  	s14 =	simm.s32 $0x3C00;
	s15 =	simm.s32 $0x1;
	s5 =	sand.u32 $0x1, s0  }
0x5: {  	s16 =	simm.s32 $0x0;
	s0 =	stileid.u32;
	s9 =	smul.u32 $0x2800, s5  }
0x6: {  	[smem:$0x7FF] =	sst s3;
	s4 =	sadd.s32 $0xB800, s6;
	s10 =	smul.u32 $0x2780, s0  }
0x7: {  	s1 =	sshll.u32 s5, $0x4;
	s11 =	smul.u32 $0x27800, s5;
	s5 =	ssub.s32 $0x2, s5  }
0x8: {  	s12 =	smul.u32 $0x280, s0;
	s1 =	sor.u32 s0, s1;
	s30 =	sshrl.u32 s5, $0x1  }
0x9: {  	s8 =	smul.u32 $0x280, s1;
	s1 =	rddreg [dreg:$0x3];
	_ =	strace $0x8000004A  }
0xa: {  	s9 =	sadd.s32 s9, s6;
	s11 =	sadd.s32 s10, s11;
	s13 =	ssub.s32 s5, s30  }
0xb: {  	s5 =	sadd.s32 s10, s2;
	s10 =	simm.s32 $0x4400;
	s31 =	sshrl.u32 s11, $0x3  }
0xc: {  	s9 =	sadd.s32 s12, s9;
	s11 =	simm.s32 $0x2;
	s12 =	simm.s32 $0x3B80  }
0xd: {  	s8 =	sadd.s32 s8, s6;
	s7 =	sadd.s32 s7, s31;
	s9 =	sadd.s32 $0x6800, s9  }
0xe: {  	v0 =	vimm.f32 $0.0e+00;
	s6 =	sadd.s32 $0x1800, s8;
	s8 =	smax.u32 s13, $0x1;
	s13 =	simm.s32 $0x80  }
.LBB2_1:
0xf: {  	s17 =	simm.s32 $0x40;
	s18 =	simm.s32 $0x0  }
.LBB2_2:
0x10: {  	p0 =	sne.s32 s17, $0x9DC0;
	[tilespmem:s18+$0x4400] =	vst v0;
	s18 =	smov.u32 s17;
	s17 =	sadd.s32 $0x40, s17  }
.Ltmp0:
0x11: {  	(pc) =	sbr.rel @p0 .LBB2_2-.Ltmp0, $2  }
0x12: {  	_ =	sdelay $0x2  }
0x13: {  	s18 =	sshra.s32 s18, $0x2  }
0x14: {  	[tilespmem:s18+$0x4400] =	vst v0  }
0x15: {  	[spmem:s5] =	stream.linear.scatter [tilespmem:s10], [sflag:$0x2], $0x2780, $0x38;
	[tilespmem:$0x6B80] =	vst v63  }
0x16: {  	_ =	swait.ge [sflag:s11], $0x2780  }
0x17: {  	[sflag:s11] =	ssyncset.done $0x0  }
0x18: {  	s17 =	simm.s32 $0x0;
	s30 =	simm.s32 $0x2780;
	[sflag:s11] =	ssyncadd.s32 $0xFFFFD880  }
0x19: {  	[tilespmem:s30], [sflag:$0x2] =	stream.linear.gather [hbm4b:s6+s17], $0x1400, $0x38;
	[tilespmem:$0x6B80] =	vst v63  }
0x1a: {  	_ =	swait.ge [sflag:s11], $0x1400  }
0x1b: {  	[sflag:s11] =	ssyncset.done $0x0  }
0x1c: {  	[sflag:s11] =	ssyncadd.s32 $0xFFFFEC00  }
0x1d: {  	s31 =	sadd.s32 $0x0, s9;
	[bflag:$0x0] =	sbarrier.arrive $0xFFFF  }
0x1e: {  	[tilespmem:s12], [sflag:$0x2] =	stream.linear.gather [hbm4b:s31+s3], $0x80, $0x38;
	[tilespmem:$0x6B80] =	vst v63  }
0x1f: {  	_ =	swait.ge [sflag:s11], $0x80  }
0x20: {  	[sflag:s11] =	ssyncset.done $0x0  }
0x21: {  	[sflag:s11] =	ssyncadd.s32 $0xFFFFFF80  }
0x22: {  	[tilespmem:s14], [sflag:$0x1] =	stream.indirect.gather [hbm4b:s4+s13], $0x10, s30, s13, $0xb8;
	[tilespmem:$0x6B80] =	vst v63  }
0x23: {  	_ =	swait.ge [sflag:s15], $0x800  }
0x24: {  	[sflag:s15] =	ssyncset.done $0x0  }
0x25: {  	[sflag:s15] =	ssyncadd.s32 $0xFFFFF800  }
0x26: {  	[spmem:s2] =	stream.indirect.scatter.add.f32 [tilespmem:s14], [sflag:$0x2], $0x10, s12, s13, $0xb8;
	[tilespmem:$0x6B80] =	vst v63  }
0x27: {  	s18 =	simm.s32 $0x10;
	_ =	swait.ge [sflag:s11], $0x800  }
0x28: {  	s19 =	simm.s32 $0x20;
	s17 =	simm.s32 $0x2800;
	[sflag:s11] =	ssyncset.done $0x0  }
.LBB2_4:
0x29: {  	s20 =	sadd.s32 s18, s9  }
0x2a: {  	[sflag:s11] =	ssyncadd.s32 $0xFFFFF800;
	s18 =	smov.u32 s19;
	s21 =	sadd.s32 $0x10, s19  }
0x2b: {  	[tilespmem:s12], [sflag:$0x2] =	stream.linear.gather [hbm4b:s20+s3], $0x80, $0x38;
	[tilespmem:$0x6B80] =	vst v63  }
0x2c: {  	p0 =	sne.s32 s19, $0x270;
	_ =	swait.ge [sflag:s11], $0x80  }
0x2d: {  	[sflag:s11] =	ssyncset.done $0x0  }
0x2e: {  	[sflag:s11] =	ssyncadd.s32 $0xFFFFFF80  }
0x2f: {  	[tilespmem:s14], [sflag:$0x1] =	stream.indirect.gather [hbm4b:s4+s13], $0x10, s17, s13, $0xb8;
	[tilespmem:$0x6B80] =	vst v63  }
0x30: {  	_ =	swait.ge [sflag:s15], $0x800  }
.Ltmp1:
0x31: {  	[sflag:s15] =	ssyncset.done $0x0;
	(pc) =	sbr.rel @p0 .LBB2_4-.Ltmp1, $4  }
0x32: {  	[sflag:s15] =	ssyncadd.s32 $0xFFFFF800  }
0x33: {  	[spmem:s2] =	stream.indirect.scatter.add.f32 [tilespmem:s14], [sflag:$0x2], $0x10, s12, s13, $0xb8;
	[tilespmem:$0x6B80] =	vst v63  }
0x34: {  	_ =	swait.ge [sflag:s11], $0x800  }
0x35: {  	s19 =	smov.u32 s21;
	s17 =	sadd.s32 $0x80, s17;
	[sflag:s11] =	ssyncset.done $0x0  }
0x36: {  	s18 =	sadd.s32 s18, s9;
	[sflag:s11] =	ssyncadd.s32 $0xFFFFF800  }
0x37: {  	[tilespmem:s12], [sflag:$0x2] =	stream.linear.gather [hbm4b:s18+s3], $0x80, $0x38;
	[tilespmem:$0x6B80] =	vst v63  }
0x38: {  	_ =	swait.ge [sflag:s11], $0x80  }
0x39: {  	[sflag:s11] =	ssyncset.done $0x0  }
0x3a: {  	[sflag:s11] =	ssyncadd.s32 $0xFFFFFF80  }
0x3b: {  	[tilespmem:s14], [sflag:$0x1] =	stream.indirect.gather [hbm4b:s4+s13], $0x10, s17, s13, $0xb8;
	[tilespmem:$0x6B80] =	vst v63  }
0x3c: {  	_ =	swait.ge [sflag:s15], $0x800  }
0x3d: {  	[sflag:s15] =	ssyncset.done $0x0  }
0x3e: {  	[sflag:s15] =	ssyncadd.s32 $0xFFFFF800  }
0x3f: {  	[spmem:s2] =	stream.indirect.scatter.add.f32 [tilespmem:s14], [sflag:$0x2], $0x10, s12, s13, $0xb8;
	[tilespmem:$0x6B80] =	vst v63  }
0x40: {  	_ =	swait.ge [sflag:s11], $0x800  }
0x41: {  	[sflag:s11] =	ssyncset.done $0x0  }
0x42: {  	[sflag:s11] =	ssyncadd.s32 $0xFFFFF800  }
0x43: {  	[bflag:$0x0] =	sbarrier.arrive $0xFFFF  }
0x44: {  	[tilespmem:s10], [sflag:$0x2] =	stream.linear.gather [spmem:s5], $0x2780, $0x38;
	[tilespmem:$0x6B80] =	vst v63  }
0x45: {  	s16 =	sadd.s32 $0x1, s16;
	_ =	swait.ge [sflag:s11], $0x2780  }
0x46: {  	p0 =	sne.s32 s16, s8;
	[sflag:s11] =	ssyncset.done $0x0  }
.Ltmp2:
0x47: {  	[sflag:s11] =	ssyncadd.s32 $0xFFFFD880;
	(pc) =	sbr.rel @p0 .LBB2_1-.Ltmp2, $4  }
0x48: {  	[hbm4b:s7+s3] =	stream.linear.scatter [tilespmem:s10], [sflag:$0x2], $0x2780, $0x38;
	[tilespmem:$0x6B80] =	vst v63  }
0x49: {  	_ =	swait.ge [sflag:s11], $0x2780  }
0x4a: {  	[sflag:s11] =	ssyncset.done $0x0  }
0x4b: {  	[sflag:s11] =	ssyncadd.s32 $0xFFFFD880  }
0x4c: {  	_ =	sfence.sel $0x180000  }
0x4d: {  	[bflag:$0x0] =	sbarrier.arrive $0xFFFF  }
0x4e: {  	p0 =	sne.s32 s0, $0x0;
	_ =	strace $0x9000004A  }
0x4f: {  	s0 =	sadd.s32 @!p0 $0x100000, s1;
	[bflag:$0x2] =	sbarrier.arrive $0xFFFF  }
0x50: {  	[sflag:s0] =	ssyncadd.tile.s32 @!p0 $0x1;
	_ =	shalt  }
.Lfunc_end2:
_tile_overlayer_lowered:
.L_overlay_start_2:
0x51: {  	(tag) =	ssettag $0x2  }
0x52: {  	s0 =	rddreg [dreg:$0x0];
	s2 =	stileid.u32  }
0x53: {  	s1 =	rddreg [dreg:$0x1];
	p0 =	sne.s32 s2, $0x0  }
0x54: {  	s3 =	rddreg [dreg:$0x2];
	[bflag:$0x3] =	sbarrier.arrive $0xFFFF;
	s2 =	simm.s32 @!p0 $0x1C02  }
0x55: {  	[timem:s3], [sflag:s2] =	dma.local @!p0 [hbm:s0], s1  }
0x56: {  	s0 =	simm.s32 @!p0 $0x2  }
0x57: {  	_ =	swait.ge @!p0 [sflag:s0], s1  }
0x58: {  	s1 =	ssub.s32 @!p0 $0x0, s1;
	[sflag:s0] =	ssyncset.done @!p0 $0x0  }
0x59: {  	[sflag:s0] =	ssyncadd.s32 @!p0 s1  }
0x5a: {  	[bflag:$0x3] =	sbarrier.arrive $0xFFFF  }
0x5b: {  	_ =	shalt  }

// kernel: kernel.16.cloned.1.call-start
scs
__scs_entry_jumppad:
0x0: {  	(pc) =	sbr.rel $0x88, $3  }
0x1: {  	(tag) =	ssettag $0x0;
	lr =	simm.s32 $0x1  }
0x2: {  	[smem:$0x3F99] =	sst lr;
	_ =	strace $0xD0000000  }
0x3: {  	_ = 	snop  }
0x4: {  	_ = 	snop  }
0x5: {  	_ = 	snop  }
0x6: {  	_ = 	snop  }
0x7: {  	_ = 	snop  }
__scs_overlays_trampoline_lowered:
0x8: {  	[smem:$0x3FA8] =	sst s0  }
0x9: {  	[smem:$0x3FA9] =	sst s1  }
0xa: {  	[smem:$0x3FAA] =	sst s2  }
0xb: {  	[smem:$0x3FAB] =	sst s3  }
0xc: {  	[smem:$0x3FAC] =	sst s4  }
0xd: {  	[smem:$0x3FAD] =	sst s5  }
0xe: {  	[smem:$0x3FAE] =	sst s6  }
0xf: {  	[smem:$0x3FAF] =	sst s7  }
0x10: {  	[smem:$0x3FB0] =	sst s8  }
0x11: {  	[smem:$0x3FB1] =	sst s9;
	s0 =	simm.s32 @!p0 $0x0  }
0x12: {  	s1 =	sld [smem:$0x3F97];
	s0 =	simm.s32 @p0 $0x1  }
0x13: {  	[smem:$0x3FB2] =	sst s0;
	s0 =	simm.s32 @!p1 $0x0  }
0x14: {  	s2 =	sld [smem:$0x3F96];
	s0 =	simm.s32 @p1 $0x1  }
0x15: {  	[smem:$0x3FB3] =	sst s0;
	s0 =	simm.s32 @!p2 $0x0  }
0x16: {  	s3 =	sld [smem:$0x3FDB];
	s0 =	simm.s32 @p2 $0x1  }
0x17: {  	s4 =	simm.s32 $0x1BF5;
	[smem:$0x3FB5] =	sst s0  }
0x18: {  	s0 =	sld [smem:$0x3F98];
	_ =	swait.ge [sflag:s4], $0x0  }
0x19: {  	s7 =	sld [smem:$0x3F99]  }
0x1a: {  	s8 =	sadd.s32 $0xFFFFE003, lr  }
0x1b: {  	s9 =	sadd.s32 $0xFFFFFEF7, lr;
	s5 =	simm.s32 $0xFFFFFFFF;
	p2 =	slt.u32 s8, $0xFFFFF086  }
0x1c: {  	p1 =	slt.u32 s9, $0xF7A;
	s5 =	simm.s32 @!p2 $0x0  }
0x1d: {  	s5 =	simm.s32 @p1 $0x1;
	p0 =	seq.s32 s7, s2  }
0x1e: {  	s7 =	smul.u32 @!p0 $0xF7A, s2;
	p2 =	seq.s32 @!p0 s5, $0x0  }
0x1f: {  	s9 =	smul.u32 $0xF7A, s1;
	s8 =	simm.s32 @!p0 $0x1BF5;
	p2 =	por !p2, p0  }
0x20: {  	[sflag:s8] =	ssyncset.s32 @!p0 $0xFFFFF086;
	s6 =	sadd.s32 @!p0 s3, s7;
	s7 =	simm.s32 @!p0 $0x108  }
0x21: {  	s3 =	sadd.s32 s3, s9;
	s6 =	sadd.s32 @!p0 $0x88, s6;
	s7 =	simm.s32 @p2 $0x1082  }
0x22: {  	[simem:s7], [sflag:s8] =	dma.local @!p0 [hbm:s6], $0xF7A  }
0x23: {  	s9 =	sor.u32 $0xD0000000, s2;
	s6 =	simm.s32 $0x108;
	_ =	swait.ge @!p0 [sflag:s8], $0x0  }
0x24: {  	s3 =	sadd.s32 $0x88, s3;
	s6 =	simm.s32 @!p1 $0x1082;
	[sflag:s4] =	ssyncset.s32 $0xFFFFF086  }
0x25: {  	[simem:s6], [sflag:s4] =	dma.local [hbm:s3], $0xF7A  }
0x26: {  	[smem:$0x3F99] =	sst s1;
	(tag) =	ssettag s2;
	_ =	strace s9  }
0x27: {  	s1 =	sld [smem:$0x3FA9]  }
0x28: {  	s2 =	sld [smem:$0x3FAA]  }
0x29: {  	s4 =	sld [smem:$0x3FAC]  }
0x2a: {  	p0 =	seq.s32 s5, $0x0;
	s5 =	sld [smem:$0x3FAD]  }
0x2b: {  	s6 =	sld [smem:$0x3FAE]  }
0x2c: {  	s7 =	sld [smem:$0x3FAF]  }
0x2d: {  	s3 =	simm.s32 $0x108;
	s8 =	sld [smem:$0x3FB0]  }
0x2e: {  	s3 =	simm.s32 @!p0 $0x1082;
	s9 =	sld [smem:$0x3FB1]  }
0x2f: {  	lr =	sadd.s32 s0, s3;
	s0 =	sld [smem:$0x3FA8]  }
0x30: {  	s3 =	sld [smem:$0x3FAB]  }
0x31: {  	[smem:$0x3FB4] =	sst s10  }
0x32: {  	s10 =	sld [smem:$0x3FB2];
	_ =	sdelay $0x3  }
0x33: {  	p0 =	seq.s32 s10, $0x1;
	s10 =	sld [smem:$0x3FB4];
	_ =	sdelay $0x3  }
0x34: {  	[smem:$0x3FB4] =	sst s10  }
0x35: {  	s10 =	sld [smem:$0x3FB3];
	_ =	sdelay $0x3  }
0x36: {  	p1 =	seq.s32 s10, $0x1;
	s10 =	sld [smem:$0x3FB4];
	_ =	sdelay $0x3  }
0x37: {  	[smem:$0x3FB4] =	sst s10  }
0x38: {  	s10 =	sld [smem:$0x3FB5]  }
0x39: {  	_ = 	snop;
	(pc) =	sbr.ind lr, $3  }
0x3a: {  	_ = 	snop  }
0x3b: {  	_ = 	snop  }
0x3c: {  	p2 =	seq.s32 s10, $0x1;
	s10 =	sld [smem:$0x3FB4]  }
0x3d: {  	_ =	shalt  }
0x3e: {  	_ =	shalt  }
0x3f: {  	_ =	shalt  }
0x40: {  	_ =	shalt  }
0x41: {  	_ =	shalt  }
0x42: {  	_ =	shalt  }
0x43: {  	_ =	shalt  }
0x44: {  	_ =	shalt  }
0x45: {  	_ =	shalt  }
0x46: {  	_ =	shalt  }
0x47: {  	_ =	shalt  }
0x48: {  	_ =	shalt  }
0x49: {  	_ =	shalt  }
0x4a: {  	_ =	shalt  }
0x4b: {  	_ =	shalt  }
0x4c: {  	_ =	shalt  }
0x4d: {  	_ =	shalt  }
0x4e: {  	_ =	shalt  }
0x4f: {  	_ =	shalt  }
0x50: {  	_ =	shalt  }
0x51: {  	_ =	shalt  }
0x52: {  	_ =	shalt  }
0x53: {  	_ =	shalt  }
0x54: {  	_ =	shalt  }
0x55: {  	_ =	shalt  }
0x56: {  	_ =	shalt  }
0x57: {  	_ =	shalt  }
0x58: {  	_ =	shalt  }
0x59: {  	_ =	shalt  }
0x5a: {  	_ =	shalt  }
0x5b: {  	_ =	shalt  }
0x5c: {  	_ =	shalt  }
0x5d: {  	_ =	shalt  }
0x5e: {  	_ =	shalt  }
0x5f: {  	_ =	shalt  }
0x60: {  	_ =	shalt  }
0x61: {  	_ =	shalt  }
0x62: {  	_ =	shalt  }
0x63: {  	_ =	shalt  }
0x64: {  	_ =	shalt  }
0x65: {  	_ =	shalt  }
0x66: {  	_ =	shalt  }
0x67: {  	_ =	shalt  }
0x68: {  	_ =	shalt  }
0x69: {  	_ =	shalt  }
0x6a: {  	_ =	shalt  }
0x6b: {  	_ =	shalt  }
0x6c: {  	_ =	shalt  }
0x6d: {  	_ =	shalt  }
0x6e: {  	_ =	shalt  }
0x6f: {  	_ =	shalt  }
0x70: {  	_ =	shalt  }
0x71: {  	_ =	shalt  }
0x72: {  	_ =	shalt  }
0x73: {  	_ =	shalt  }
0x74: {  	_ =	shalt  }
0x75: {  	_ =	shalt  }
0x76: {  	_ =	shalt  }
0x77: {  	_ =	shalt  }
0x78: {  	_ =	shalt  }
0x79: {  	_ =	shalt  }
0x7a: {  	_ =	shalt  }
0x7b: {  	_ =	shalt  }
0x7c: {  	_ =	shalt  }
0x7d: {  	_ =	shalt  }
0x7e: {  	_ =	shalt  }
0x7f: {  	_ =	shalt  }
0x80: {  	_ =	shalt  }
0x81: {  	_ =	shalt  }
0x82: {  	_ =	shalt  }
0x83: {  	_ =	shalt  }
0x84: {  	_ =	shalt  }
0x85: {  	_ =	shalt  }
0x86: {  	_ =	shalt  }
0x87: {  	_ =	shalt  }
.Lfunc_end0:
.L_simem_size_0:
called_computation.2_lowered:
.L_overlay_start_0:
0x88: {  	s2 =	sld [smem:$0x3FD9]  }
0x89: {  	s3 =	sld [smem:$0x3FFE];
	_ =	sdelay $0x1  }
0x8a: {  	s1 =	srdreg.scid  }
0x8b: {  	s0 =	sand.u32 $0x1, s1  }
0x8c: {  	s17 =	sshll.u32 s0, $0xA;
	s2 =	sadd.s32 s3, s2  }
0x8d: {  	s2 =	sadd.s32 s2, s17  }
0x8e: {  	[smem:$0x3FC0] =	sst s2  }
0x8f: {  	_ = 	snop  }
0x90: {  	s2 =	sld [smem:$0x3FD0];
	(tm) =	ssettm $0x1  }
0x91: {  	s18 =	sld [smem:$0x3FFB];
	_ =	sdelay $0x3  }
0x92: {  	_ =	strace s18  }
0x93: {  	s3 =	sld [smem:$0x3FFC];
	_ =	sdelay $0x3  }
0x94: {  	_ =	strace s3  }
0x95: {  	s3 =	sld [smem:$0x3FFD];
	_ =	sdelay $0x3  }
0x96: {  	_ =	strace s3  }
0x97: {  	_ =	strace $0x8FFFFFFF  }
0x98: {  	s19 =	sld [smem:$0x3FDB];
	_ =	sdelay $0x1  }
0x99: {  	s4 =	simm.s32 $_scs_section_size  }
0x9a: {  	s5 =	simm.s32 $_size__tile_overlayer_lowered;
	s6 =	simm.s32 $_tile_overlayer_lowered  }
0x9b: {  	s22 =	simm.s32 $0x1BFF;
	s21 =	sshll.u32 s6, $0x1;
	s3 =	sadd.s32 s4, s19  }
0x9c: {  	s7 =	simm.s32 $0x0;
	s20 =	sshll.u32 s5, $0x1;
	s5 =	sadd.s32 s21, s3  }
0x9d: {  	[timem:s7], [sflag:s22] =	dma.local [hbm:s5], s20  }
0x9e: {  	_ =	swait.ge [sflag:s22], s20  }
0x9f: {  	s4 =	ssub.s32 $0x0, s20;
	[sflag:s22] =	ssyncset.done $0x0  }
0xa0: {  	[sflag:s22] =	ssyncadd.s32 s4;
	_ =	sdelay $0x1  }
0xa1: {  	s23 =	simm.s32 $0x1B8B  }
0xa2: {  	_ =	swait.ge [sflag:s23], $0x1  }
0xa3: {  	[sflag:s23] =	ssyncset.done $0x0  }
0xa4: {  	s25 =	simm.s32 $0x1B8E;
	s24 =	sld [smem:$0x3FFE];
	[sflag:s23] =	ssyncadd.s32 $0xFFFFFFFF  }
0xa5: {  	s26 =	simm.s32 $execute0_lowered;
	[smem:$0x3FD2] =	sst s25  }
0xa6: {  	s5 =	sshll.u32 s26, $0x1;
	_ =	strace $0x8000004C;
	[dreg:$0x1] =	wrdreg $0xFFFFFFFF  }
0xa7: {  	s28 =	simm.s32 $_size_execute0_lowered;
	s3 =	sadd.s32 s3, s5;
	[dreg:$0x0] =	wrdreg $0x0  }
0xa8: {  	s5 =	sshll.u32 s28, $0x1;
	[dreg:$0x2] =	wrdreg s3  }
0xa9: {  	[dreg:$0x3] =	wrdreg s5  }
0xaa: {  	[dreg:$0x4] =	wrdreg $0xC0  }
0xab: {  	_ =	task [dreg:s7], $0x5FFFF  }
0xac: {  	[dreg:$0x1] =	wrdreg $0xFFFFFFFF  }
0xad: {  	[dreg:$0x0] =	wrdreg $0x60  }
0xae: {  	[dreg:$0x2] =	wrdreg s24  }
0xaf: {  	[dreg:$0x3] =	wrdreg s2  }
0xb0: {  	[dreg:$0x4] =	wrdreg $0x0  }
0xb1: {  	[dreg:$0x5] =	wrdreg $0x9  }
0xb2: {  	_ =	task.clear_ibuf [dreg:s7], $0x6FFFF;
	_ =	strace $0x9000004C  }
0xb3: {  	s29 =	simm.s32 $0x9;
	_ =	strace $0x8000004E  }
0xb4: {  	_ =	swait.ge [sflag:s29], $0x1  }
0xb5: {  	[sflag:s29] =	ssyncadd.s32 $0xFFFFFFFF  }
0xb6: {  	_ =	strace $0x9000004E  }
0xb7: {  	_ =	sfence  }
0xb8: {  	s30 =	sld [smem:$0x0];
	_ =	sdelay $0x2  }
0xb9: {  	s31 =	sshll.u32 s1, $0xD;
	s1 =	sshrl.u32 s1, $0x2  }
0xba: {  	s3 =	sand.u32 $0x4000, s31;
	s1 =	sadd.s32 s1, s30  }
0xbb: {  	s0 =	sor.u32 s3, s0;
	s1 =	sshll.u32 s1, $0x11  }
0xbc: {  	s0 =	sor.u32 s1, s0  }
0xbd: {  	s0 =	sadd.s32 $0x8F2B, s0  }
0xbe: {  	[sflag:s0] =	ssyncadd.remote.s32 $0x1  }
0xbf: {  	_ =	sfence.sel $0xFFFF  }
0xc0: {  	[dreg:$0x0] =	wrdreg $0xFFFFFFFF;
	(pc) =	sbr.abs _section_cstart, $3  }
0xc1: {  	[dreg:$0x1] =	wrdreg $0xFFFFFFFF  }
0xc2: {  	_ =	task.clear_ibuf [dreg:s7], $0x2FFFF;
	_ =	strace $0x9FFFFFFF  }
0xc3: {  	(tm) =	ssettm $0x7FFFFFFF  }
tec
execute0_lowered:
.L_overlay_start_1:
0x0: {  	(tag) =	ssettag $0x1  }
0x1: {  	s6 =	rddreg [dreg:$0x0]  }
0x2: {  	s7 =	rddreg [dreg:$0x1]  }
0x3: {  	s0 =	srdreg.scid;
	s2 =	rddreg [dreg:$0x2];
	s3 =	simm.s32 $0x0  }
0x4: {  	s14 =	simm.s32 $0x3C00;
	s15 =	simm.s32 $0x1;
	s5 =	sand.u32 $0x1, s0  }
0x5: {  	s16 =	simm.s32 $0x0;
	s0 =	stileid.u32;
	s9 =	smul.u32 $0x2800, s5  }
0x6: {  	[smem:$0x7FF] =	sst s3;
	s4 =	sadd.s32 $0xB800, s6;
	s10 =	smul.u32 $0x2780, s0  }
0x7: {  	s1 =	sshll.u32 s5, $0x4;
	s11 =	smul.u32 $0x27800, s5;
	s5 =	ssub.s32 $0x2, s5  }
0x8: {  	s12 =	smul.u32 $0x280, s0;
	s1 =	sor.u32 s0, s1;
	s30 =	sshrl.u32 s5, $0x1  }
0x9: {  	s8 =	smul.u32 $0x280, s1;
	s1 =	rddreg [dreg:$0x3];
	_ =	strace $0x8000004D  }
0xa: {  	s9 =	sadd.s32 s9, s6;
	s11 =	sadd.s32 s10, s11;
	s13 =	ssub.s32 s5, s30  }
0xb: {  	s5 =	sadd.s32 s10, s2;
	s10 =	simm.s32 $0x4400;
	s31 =	sshrl.u32 s11, $0x3  }
0xc: {  	s9 =	sadd.s32 s12, s9;
	s11 =	simm.s32 $0x2;
	s12 =	simm.s32 $0x3B80  }
0xd: {  	s8 =	sadd.s32 s8, s6;
	s7 =	sadd.s32 s7, s31;
	s9 =	sadd.s32 $0x6800, s9  }
0xe: {  	v0 =	vimm.f32 $0.0e+00;
	s6 =	sadd.s32 $0x1800, s8;
	s8 =	smax.u32 s13, $0x1;
	s13 =	simm.s32 $0x80  }
.LBB2_1:
0xf: {  	s17 =	simm.s32 $0x40;
	s18 =	simm.s32 $0x0  }
.LBB2_2:
0x10: {  	p0 =	sne.s32 s17, $0x9DC0;
	[tilespmem:s18+$0x4400] =	vst v0;
	s18 =	smov.u32 s17;
	s17 =	sadd.s32 $0x40, s17  }
.Ltmp0:
0x11: {  	(pc) =	sbr.rel @p0 .LBB2_2-.Ltmp0, $2  }
0x12: {  	_ =	sdelay $0x2  }
0x13: {  	s18 =	sshra.s32 s18, $0x2  }
0x14: {  	[tilespmem:s18+$0x4400] =	vst v0  }
0x15: {  	[spmem:s5] =	stream.linear.scatter [tilespmem:s10], [sflag:$0x2], $0x2780, $0x38;
	[tilespmem:$0x6B80] =	vst v63  }
0x16: {  	_ =	swait.ge [sflag:s11], $0x2780  }
0x17: {  	[sflag:s11] =	ssyncset.done $0x0  }
0x18: {  	s17 =	simm.s32 $0x0;
	s30 =	simm.s32 $0x2780;
	[sflag:s11] =	ssyncadd.s32 $0xFFFFD880  }
0x19: {  	[tilespmem:s30], [sflag:$0x2] =	stream.linear.gather [hbm4b:s6+s17], $0x1400, $0x38;
	[tilespmem:$0x6B80] =	vst v63  }
0x1a: {  	_ =	swait.ge [sflag:s11], $0x1400  }
0x1b: {  	[sflag:s11] =	ssyncset.done $0x0  }
0x1c: {  	[sflag:s11] =	ssyncadd.s32 $0xFFFFEC00  }
0x1d: {  	s31 =	sadd.s32 $0x0, s9;
	[bflag:$0x0] =	sbarrier.arrive $0xFFFF  }
0x1e: {  	[tilespmem:s12], [sflag:$0x2] =	stream.linear.gather [hbm4b:s31+s3], $0x80, $0x38;
	[tilespmem:$0x6B80] =	vst v63  }
0x1f: {  	_ =	swait.ge [sflag:s11], $0x80  }
0x20: {  	[sflag:s11] =	ssyncset.done $0x0  }
0x21: {  	[sflag:s11] =	ssyncadd.s32 $0xFFFFFF80  }
0x22: {  	[tilespmem:s14], [sflag:$0x1] =	stream.indirect.gather [hbm4b:s4+s13], $0x10, s30, s13, $0xb8;
	[tilespmem:$0x6B80] =	vst v63  }
0x23: {  	_ =	swait.ge [sflag:s15], $0x800  }
0x24: {  	[sflag:s15] =	ssyncset.done $0x0  }
0x25: {  	[sflag:s15] =	ssyncadd.s32 $0xFFFFF800  }
0x26: {  	[spmem:s2] =	stream.indirect.scatter.add.f32 [tilespmem:s14], [sflag:$0x2], $0x10, s12, s13, $0xb8;
	[tilespmem:$0x6B80] =	vst v63  }
0x27: {  	s18 =	simm.s32 $0x10;
	_ =	swait.ge [sflag:s11], $0x800  }
0x28: {  	s19 =	simm.s32 $0x20;
	s17 =	simm.s32 $0x2800;
	[sflag:s11] =	ssyncset.done $0x0  }
.LBB2_4:
0x29: {  	s20 =	sadd.s32 s18, s9  }
0x2a: {  	[sflag:s11] =	ssyncadd.s32 $0xFFFFF800;
	s18 =	smov.u32 s19;
	s21 =	sadd.s32 $0x10, s19  }
0x2b: {  	[tilespmem:s12], [sflag:$0x2] =	stream.linear.gather [hbm4b:s20+s3], $0x80, $0x38;
	[tilespmem:$0x6B80] =	vst v63  }
0x2c: {  	p0 =	sne.s32 s19, $0x270;
	_ =	swait.ge [sflag:s11], $0x80  }
0x2d: {  	[sflag:s11] =	ssyncset.done $0x0  }
0x2e: {  	[sflag:s11] =	ssyncadd.s32 $0xFFFFFF80  }
0x2f: {  	[tilespmem:s14], [sflag:$0x1] =	stream.indirect.gather [hbm4b:s4+s13], $0x10, s17, s13, $0xb8;
	[tilespmem:$0x6B80] =	vst v63  }
0x30: {  	_ =	swait.ge [sflag:s15], $0x800  }
.Ltmp1:
0x31: {  	[sflag:s15] =	ssyncset.done $0x0;
	(pc) =	sbr.rel @p0 .LBB2_4-.Ltmp1, $4  }
0x32: {  	[sflag:s15] =	ssyncadd.s32 $0xFFFFF800  }
0x33: {  	[spmem:s2] =	stream.indirect.scatter.add.f32 [tilespmem:s14], [sflag:$0x2], $0x10, s12, s13, $0xb8;
	[tilespmem:$0x6B80] =	vst v63  }
0x34: {  	_ =	swait.ge [sflag:s11], $0x800  }
0x35: {  	s19 =	smov.u32 s21;
	s17 =	sadd.s32 $0x80, s17;
	[sflag:s11] =	ssyncset.done $0x0  }
0x36: {  	s18 =	sadd.s32 s18, s9;
	[sflag:s11] =	ssyncadd.s32 $0xFFFFF800  }
0x37: {  	[tilespmem:s12], [sflag:$0x2] =	stream.linear.gather [hbm4b:s18+s3], $0x80, $0x38;
	[tilespmem:$0x6B80] =	vst v63  }
0x38: {  	_ =	swait.ge [sflag:s11], $0x80  }
0x39: {  	[sflag:s11] =	ssyncset.done $0x0  }
0x3a: {  	[sflag:s11] =	ssyncadd.s32 $0xFFFFFF80  }
0x3b: {  	[tilespmem:s14], [sflag:$0x1] =	stream.indirect.gather [hbm4b:s4+s13], $0x10, s17, s13, $0xb8;
	[tilespmem:$0x6B80] =	vst v63  }
0x3c: {  	_ =	swait.ge [sflag:s15], $0x800  }
0x3d: {  	[sflag:s15] =	ssyncset.done $0x0  }
0x3e: {  	[sflag:s15] =	ssyncadd.s32 $0xFFFFF800  }
0x3f: {  	[spmem:s2] =	stream.indirect.scatter.add.f32 [tilespmem:s14], [sflag:$0x2], $0x10, s12, s13, $0xb8;
	[tilespmem:$0x6B80] =	vst v63  }
0x40: {  	_ =	swait.ge [sflag:s11], $0x800  }
0x41: {  	[sflag:s11] =	ssyncset.done $0x0  }
0x42: {  	[sflag:s11] =	ssyncadd.s32 $0xFFFFF800  }
0x43: {  	[bflag:$0x0] =	sbarrier.arrive $0xFFFF  }
0x44: {  	[tilespmem:s10], [sflag:$0x2] =	stream.linear.gather [spmem:s5], $0x2780, $0x38;
	[tilespmem:$0x6B80] =	vst v63  }
0x45: {  	s16 =	sadd.s32 $0x1, s16;
	_ =	swait.ge [sflag:s11], $0x2780  }
0x46: {  	p0 =	sne.s32 s16, s8;
	[sflag:s11] =	ssyncset.done $0x0  }
.Ltmp2:
0x47: {  	[sflag:s11] =	ssyncadd.s32 $0xFFFFD880;
	(pc) =	sbr.rel @p0 .LBB2_1-.Ltmp2, $4  }
0x48: {  	[hbm4b:s7+s3] =	stream.linear.scatter [tilespmem:s10], [sflag:$0x2], $0x2780, $0x38;
	[tilespmem:$0x6B80] =	vst v63  }
0x49: {  	_ =	swait.ge [sflag:s11], $0x2780  }
0x4a: {  	[sflag:s11] =	ssyncset.done $0x0  }
0x4b: {  	[sflag:s11] =	ssyncadd.s32 $0xFFFFD880  }
0x4c: {  	_ =	sfence.sel $0x180000  }
0x4d: {  	[bflag:$0x0] =	sbarrier.arrive $0xFFFF  }
0x4e: {  	p0 =	sne.s32 s0, $0x0;
	_ =	strace $0x9000004D  }
0x4f: {  	s0 =	sadd.s32 @!p0 $0x100000, s1;
	[bflag:$0x2] =	sbarrier.arrive $0xFFFF  }
0x50: {  	[sflag:s0] =	ssyncadd.tile.s32 @!p0 $0x1;
	_ =	shalt  }
.Lfunc_end2:
_tile_overlayer_lowered:
.L_overlay_start_2:
0x51: {  	(tag) =	ssettag $0x2  }
0x52: {  	s0 =	rddreg [dreg:$0x0];
	s2 =	stileid.u32  }
0x53: {  	s1 =	rddreg [dreg:$0x1];
	p0 =	sne.s32 s2, $0x0  }
0x54: {  	s3 =	rddreg [dreg:$0x2];
	[bflag:$0x3] =	sbarrier.arrive $0xFFFF;
	s2 =	simm.s32 @!p0 $0x1C02  }
0x55: {  	[timem:s3], [sflag:s2] =	dma.local @!p0 [hbm:s0], s1  }
0x56: {  	s0 =	simm.s32 @!p0 $0x2  }
0x57: {  	_ =	swait.ge @!p0 [sflag:s0], s1  }
0x58: {  	s1 =	ssub.s32 @!p0 $0x0, s1;
	[sflag:s0] =	ssyncset.done @!p0 $0x0  }
0x59: {  	[sflag:s0] =	ssyncadd.s32 @!p0 s1  }
0x5a: {  	[bflag:$0x3] =	sbarrier.arrive $0xFFFF  }
0x5b: {  	_ =	shalt  }

// kernel: kernel.19.cloned.1.call-start
scs
__scs_entry_jumppad:
0x0: {  	(pc) =	sbr.rel $0x88, $3  }
0x1: {  	(tag) =	ssettag $0x0;
	lr =	simm.s32 $0x1  }
0x2: {  	[smem:$0x3F99] =	sst lr;
	_ =	strace $0xD0000000  }
0x3: {  	_ = 	snop  }
0x4: {  	_ = 	snop  }
0x5: {  	_ = 	snop  }
0x6: {  	_ = 	snop  }
0x7: {  	_ = 	snop  }
__scs_overlays_trampoline_lowered:
0x8: {  	[smem:$0x3FA8] =	sst s0  }
0x9: {  	[smem:$0x3FA9] =	sst s1  }
0xa: {  	[smem:$0x3FAA] =	sst s2  }
0xb: {  	[smem:$0x3FAB] =	sst s3  }
0xc: {  	[smem:$0x3FAC] =	sst s4  }
0xd: {  	[smem:$0x3FAD] =	sst s5  }
0xe: {  	[smem:$0x3FAE] =	sst s6  }
0xf: {  	[smem:$0x3FAF] =	sst s7  }
0x10: {  	[smem:$0x3FB0] =	sst s8  }
0x11: {  	[smem:$0x3FB1] =	sst s9;
	s0 =	simm.s32 @!p0 $0x0  }
0x12: {  	s1 =	sld [smem:$0x3F97];
	s0 =	simm.s32 @p0 $0x1  }
0x13: {  	[smem:$0x3FB2] =	sst s0;
	s0 =	simm.s32 @!p1 $0x0  }
0x14: {  	s2 =	sld [smem:$0x3F96];
	s0 =	simm.s32 @p1 $0x1  }
0x15: {  	[smem:$0x3FB3] =	sst s0;
	s0 =	simm.s32 @!p2 $0x0  }
0x16: {  	s3 =	sld [smem:$0x3FDB];
	s0 =	simm.s32 @p2 $0x1  }
0x17: {  	s4 =	simm.s32 $0x1BF5;
	[smem:$0x3FB5] =	sst s0  }
0x18: {  	s0 =	sld [smem:$0x3F98];
	_ =	swait.ge [sflag:s4], $0x0  }
0x19: {  	s7 =	sld [smem:$0x3F99]  }
0x1a: {  	s8 =	sadd.s32 $0xFFFFE003, lr  }
0x1b: {  	s9 =	sadd.s32 $0xFFFFFEF7, lr;
	s5 =	simm.s32 $0xFFFFFFFF;
	p2 =	slt.u32 s8, $0xFFFFF086  }
0x1c: {  	p1 =	slt.u32 s9, $0xF7A;
	s5 =	simm.s32 @!p2 $0x0  }
0x1d: {  	s5 =	simm.s32 @p1 $0x1;
	p0 =	seq.s32 s7, s2  }
0x1e: {  	s7 =	smul.u32 @!p0 $0xF7A, s2;
	p2 =	seq.s32 @!p0 s5, $0x0  }
0x1f: {  	s9 =	smul.u32 $0xF7A, s1;
	s8 =	simm.s32 @!p0 $0x1BF5;
	p2 =	por !p2, p0  }
0x20: {  	[sflag:s8] =	ssyncset.s32 @!p0 $0xFFFFF086;
	s6 =	sadd.s32 @!p0 s3, s7;
	s7 =	simm.s32 @!p0 $0x108  }
0x21: {  	s3 =	sadd.s32 s3, s9;
	s6 =	sadd.s32 @!p0 $0x88, s6;
	s7 =	simm.s32 @p2 $0x1082  }
0x22: {  	[simem:s7], [sflag:s8] =	dma.local @!p0 [hbm:s6], $0xF7A  }
0x23: {  	s9 =	sor.u32 $0xD0000000, s2;
	s6 =	simm.s32 $0x108;
	_ =	swait.ge @!p0 [sflag:s8], $0x0  }
0x24: {  	s3 =	sadd.s32 $0x88, s3;
	s6 =	simm.s32 @!p1 $0x1082;
	[sflag:s4] =	ssyncset.s32 $0xFFFFF086  }
0x25: {  	[simem:s6], [sflag:s4] =	dma.local [hbm:s3], $0xF7A  }
0x26: {  	[smem:$0x3F99] =	sst s1;
	(tag) =	ssettag s2;
	_ =	strace s9  }
0x27: {  	s1 =	sld [smem:$0x3FA9]  }
0x28: {  	s2 =	sld [smem:$0x3FAA]  }
0x29: {  	s4 =	sld [smem:$0x3FAC]  }
0x2a: {  	p0 =	seq.s32 s5, $0x0;
	s5 =	sld [smem:$0x3FAD]  }
0x2b: {  	s6 =	sld [smem:$0x3FAE]  }
0x2c: {  	s7 =	sld [smem:$0x3FAF]  }
0x2d: {  	s3 =	simm.s32 $0x108;
	s8 =	sld [smem:$0x3FB0]  }
0x2e: {  	s3 =	simm.s32 @!p0 $0x1082;
	s9 =	sld [smem:$0x3FB1]  }
0x2f: {  	lr =	sadd.s32 s0, s3;
	s0 =	sld [smem:$0x3FA8]  }
0x30: {  	s3 =	sld [smem:$0x3FAB]  }
0x31: {  	[smem:$0x3FB4] =	sst s10  }
0x32: {  	s10 =	sld [smem:$0x3FB2];
	_ =	sdelay $0x3  }
0x33: {  	p0 =	seq.s32 s10, $0x1;
	s10 =	sld [smem:$0x3FB4];
	_ =	sdelay $0x3  }
0x34: {  	[smem:$0x3FB4] =	sst s10  }
0x35: {  	s10 =	sld [smem:$0x3FB3];
	_ =	sdelay $0x3  }
0x36: {  	p1 =	seq.s32 s10, $0x1;
	s10 =	sld [smem:$0x3FB4];
	_ =	sdelay $0x3  }
0x37: {  	[smem:$0x3FB4] =	sst s10  }
0x38: {  	s10 =	sld [smem:$0x3FB5]  }
0x39: {  	_ = 	snop;
	(pc) =	sbr.ind lr, $3  }
0x3a: {  	_ = 	snop  }
0x3b: {  	_ = 	snop  }
0x3c: {  	p2 =	seq.s32 s10, $0x1;
	s10 =	sld [smem:$0x3FB4]  }
0x3d: {  	_ =	shalt  }
0x3e: {  	_ =	shalt  }
0x3f: {  	_ =	shalt  }
0x40: {  	_ =	shalt  }
0x41: {  	_ =	shalt  }
0x42: {  	_ =	shalt  }
0x43: {  	_ =	shalt  }
0x44: {  	_ =	shalt  }
0x45: {  	_ =	shalt  }
0x46: {  	_ =	shalt  }
0x47: {  	_ =	shalt  }
0x48: {  	_ =	shalt  }
0x49: {  	_ =	shalt  }
0x4a: {  	_ =	shalt  }
0x4b: {  	_ =	shalt  }
0x4c: {  	_ =	shalt  }
0x4d: {  	_ =	shalt  }
0x4e: {  	_ =	shalt  }
0x4f: {  	_ =	shalt  }
0x50: {  	_ =	shalt  }
0x51: {  	_ =	shalt  }
0x52: {  	_ =	shalt  }
0x53: {  	_ =	shalt  }
0x54: {  	_ =	shalt  }
0x55: {  	_ =	shalt  }
0x56: {  	_ =	shalt  }
0x57: {  	_ =	shalt  }
0x58: {  	_ =	shalt  }
0x59: {  	_ =	shalt  }
0x5a: {  	_ =	shalt  }
0x5b: {  	_ =	shalt  }
0x5c: {  	_ =	shalt  }
0x5d: {  	_ =	shalt  }
0x5e: {  	_ =	shalt  }
0x5f: {  	_ =	shalt  }
0x60: {  	_ =	shalt  }
0x61: {  	_ =	shalt  }
0x62: {  	_ =	shalt  }
0x63: {  	_ =	shalt  }
0x64: {  	_ =	shalt  }
0x65: {  	_ =	shalt  }
0x66: {  	_ =	shalt  }
0x67: {  	_ =	shalt  }
0x68: {  	_ =	shalt  }
0x69: {  	_ =	shalt  }
0x6a: {  	_ =	shalt  }
0x6b: {  	_ =	shalt  }
0x6c: {  	_ =	shalt  }
0x6d: {  	_ =	shalt  }
0x6e: {  	_ =	shalt  }
0x6f: {  	_ =	shalt  }
0x70: {  	_ =	shalt  }
0x71: {  	_ =	shalt  }
0x72: {  	_ =	shalt  }
0x73: {  	_ =	shalt  }
0x74: {  	_ =	shalt  }
0x75: {  	_ =	shalt  }
0x76: {  	_ =	shalt  }
0x77: {  	_ =	shalt  }
0x78: {  	_ =	shalt  }
0x79: {  	_ =	shalt  }
0x7a: {  	_ =	shalt  }
0x7b: {  	_ =	shalt  }
0x7c: {  	_ =	shalt  }
0x7d: {  	_ =	shalt  }
0x7e: {  	_ =	shalt  }
0x7f: {  	_ =	shalt  }
0x80: {  	_ =	shalt  }
0x81: {  	_ =	shalt  }
0x82: {  	_ =	shalt  }
0x83: {  	_ =	shalt  }
0x84: {  	_ =	shalt  }
0x85: {  	_ =	shalt  }
0x86: {  	_ =	shalt  }
0x87: {  	_ =	shalt  }
.Lfunc_end0:
.L_simem_size_0:
called_computation.3_lowered:
.L_overlay_start_0:
0x88: {  	s2 =	sld [smem:$0x3FD9]  }
0x89: {  	s3 =	sld [smem:$0x3FFE];
	_ =	sdelay $0x1  }
0x8a: {  	s1 =	srdreg.scid  }
0x8b: {  	s0 =	sand.u32 $0x1, s1  }
0x8c: {  	s17 =	sshll.u32 s0, $0xA;
	s2 =	sadd.s32 s3, s2  }
0x8d: {  	s2 =	sadd.s32 s2, s17  }
0x8e: {  	[smem:$0x3FC0] =	sst s2  }
0x8f: {  	_ = 	snop  }
0x90: {  	s2 =	sld [smem:$0x3FD0];
	(tm) =	ssettm $0x1  }
0x91: {  	s18 =	sld [smem:$0x3FFB];
	_ =	sdelay $0x3  }
0x92: {  	_ =	strace s18  }
0x93: {  	s3 =	sld [smem:$0x3FFC];
	_ =	sdelay $0x3  }
0x94: {  	_ =	strace s3  }
0x95: {  	s3 =	sld [smem:$0x3FFD];
	_ =	sdelay $0x3  }
0x96: {  	_ =	strace s3  }
0x97: {  	_ =	strace $0x8FFFFFFF  }
0x98: {  	s19 =	sld [smem:$0x3FDB];
	_ =	sdelay $0x1  }
0x99: {  	s4 =	simm.s32 $_scs_section_size  }
0x9a: {  	s5 =	simm.s32 $_size__tile_overlayer_lowered;
	s6 =	simm.s32 $_tile_overlayer_lowered  }
0x9b: {  	s22 =	simm.s32 $0x1BFF;
	s21 =	sshll.u32 s6, $0x1;
	s3 =	sadd.s32 s4, s19  }
0x9c: {  	s7 =	simm.s32 $0x0;
	s20 =	sshll.u32 s5, $0x1;
	s5 =	sadd.s32 s21, s3  }
0x9d: {  	[timem:s7], [sflag:s22] =	dma.local [hbm:s5], s20  }
0x9e: {  	_ =	swait.ge [sflag:s22], s20  }
0x9f: {  	s4 =	ssub.s32 $0x0, s20;
	[sflag:s22] =	ssyncset.done $0x0  }
0xa0: {  	[sflag:s22] =	ssyncadd.s32 s4;
	_ =	sdelay $0x1  }
0xa1: {  	s23 =	simm.s32 $0x1B8B  }
0xa2: {  	_ =	swait.ge [sflag:s23], $0x1  }
0xa3: {  	[sflag:s23] =	ssyncset.done $0x0  }
0xa4: {  	s25 =	simm.s32 $0x1B8E;
	s24 =	sld [smem:$0x3FFE];
	[sflag:s23] =	ssyncadd.s32 $0xFFFFFFFF  }
0xa5: {  	s26 =	simm.s32 $execute0_lowered;
	[smem:$0x3FD2] =	sst s25  }
0xa6: {  	s5 =	sshll.u32 s26, $0x1;
	_ =	strace $0x8000004F;
	[dreg:$0x1] =	wrdreg $0xFFFFFFFF  }
0xa7: {  	s28 =	simm.s32 $_size_execute0_lowered;
	s3 =	sadd.s32 s3, s5;
	[dreg:$0x0] =	wrdreg $0x0  }
0xa8: {  	s5 =	sshll.u32 s28, $0x1;
	[dreg:$0x2] =	wrdreg s3  }
0xa9: {  	[dreg:$0x3] =	wrdreg s5  }
0xaa: {  	[dreg:$0x4] =	wrdreg $0xC0  }
0xab: {  	_ =	task [dreg:s7], $0x5FFFF  }
0xac: {  	[dreg:$0x1] =	wrdreg $0xFFFFFFFF  }
0xad: {  	[dreg:$0x0] =	wrdreg $0x60  }
0xae: {  	[dreg:$0x2] =	wrdreg s24  }
0xaf: {  	[dreg:$0x3] =	wrdreg s2  }
0xb0: {  	[dreg:$0x4] =	wrdreg $0x0  }
0xb1: {  	[dreg:$0x5] =	wrdreg $0x9  }
0xb2: {  	_ =	task.clear_ibuf [dreg:s7], $0x6FFFF;
	_ =	strace $0x9000004F  }
0xb3: {  	s29 =	simm.s32 $0x9;
	_ =	strace $0x80000051  }
0xb4: {  	_ =	swait.ge [sflag:s29], $0x1  }
0xb5: {  	[sflag:s29] =	ssyncadd.s32 $0xFFFFFFFF  }
0xb6: {  	_ =	strace $0x90000051  }
0xb7: {  	_ =	sfence  }
0xb8: {  	s30 =	sld [smem:$0x0];
	_ =	sdelay $0x2  }
0xb9: {  	s31 =	sshll.u32 s1, $0xD;
	s1 =	sshrl.u32 s1, $0x2  }
0xba: {  	s3 =	sand.u32 $0x4000, s31;
	s1 =	sadd.s32 s1, s30  }
0xbb: {  	s0 =	sor.u32 s3, s0;
	s1 =	sshll.u32 s1, $0x11  }
0xbc: {  	s0 =	sor.u32 s1, s0  }
0xbd: {  	s0 =	sadd.s32 $0x8F2B, s0  }
0xbe: {  	[sflag:s0] =	ssyncadd.remote.s32 $0x1  }
0xbf: {  	_ =	sfence.sel $0xFFFF  }
0xc0: {  	[dreg:$0x0] =	wrdreg $0xFFFFFFFF;
	(pc) =	sbr.abs _section_cstart, $3  }
0xc1: {  	[dreg:$0x1] =	wrdreg $0xFFFFFFFF  }
0xc2: {  	_ =	task.clear_ibuf [dreg:s7], $0x2FFFF;
	_ =	strace $0x9FFFFFFF  }
0xc3: {  	(tm) =	ssettm $0x7FFFFFFF  }
tec
execute0_lowered:
.L_overlay_start_1:
0x0: {  	(tag) =	ssettag $0x1  }
0x1: {  	s6 =	rddreg [dreg:$0x0]  }
0x2: {  	s7 =	rddreg [dreg:$0x1]  }
0x3: {  	s0 =	srdreg.scid;
	s2 =	rddreg [dreg:$0x2];
	s3 =	simm.s32 $0x0  }
0x4: {  	s14 =	simm.s32 $0x3C00;
	s15 =	simm.s32 $0x1;
	s5 =	sand.u32 $0x1, s0  }
0x5: {  	s16 =	simm.s32 $0x0;
	s0 =	stileid.u32;
	s9 =	smul.u32 $0x2800, s5  }
0x6: {  	[smem:$0x7FF] =	sst s3;
	s4 =	sadd.s32 $0xB800, s6;
	s10 =	smul.u32 $0x2780, s0  }
0x7: {  	s1 =	sshll.u32 s5, $0x4;
	s11 =	smul.u32 $0x27800, s5;
	s5 =	ssub.s32 $0x2, s5  }
0x8: {  	s12 =	smul.u32 $0x280, s0;
	s1 =	sor.u32 s0, s1;
	s30 =	sshrl.u32 s5, $0x1  }
0x9: {  	s8 =	smul.u32 $0x280, s1;
	s1 =	rddreg [dreg:$0x3];
	_ =	strace $0x80000050  }
0xa: {  	s9 =	sadd.s32 s9, s6;
	s11 =	sadd.s32 s10, s11;
	s13 =	ssub.s32 s5, s30  }
0xb: {  	s5 =	sadd.s32 s10, s2;
	s10 =	simm.s32 $0x4400;
	s31 =	sshrl.u32 s11, $0x3  }
0xc: {  	s9 =	sadd.s32 s12, s9;
	s11 =	simm.s32 $0x2;
	s12 =	simm.s32 $0x3B80  }
0xd: {  	s8 =	sadd.s32 s8, s6;
	s7 =	sadd.s32 s7, s31;
	s9 =	sadd.s32 $0x6800, s9  }
0xe: {  	v0 =	vimm.f32 $0.0e+00;
	s6 =	sadd.s32 $0x1800, s8;
	s8 =	smax.u32 s13, $0x1;
	s13 =	simm.s32 $0x80  }
.LBB2_1:
0xf: {  	s17 =	simm.s32 $0x40;
	s18 =	simm.s32 $0x0  }
.LBB2_2:
0x10: {  	p0 =	sne.s32 s17, $0x9DC0;
	[tilespmem:s18+$0x4400] =	vst v0;
	s18 =	smov.u32 s17;
	s17 =	sadd.s32 $0x40, s17  }
.Ltmp0:
0x11: {  	(pc) =	sbr.rel @p0 .LBB2_2-.Ltmp0, $2  }
0x12: {  	_ =	sdelay $0x2  }
0x13: {  	s18 =	sshra.s32 s18, $0x2  }
0x14: {  	[tilespmem:s18+$0x4400] =	vst v0  }
0x15: {  	[spmem:s5] =	stream.linear.scatter [tilespmem:s10], [sflag:$0x2], $0x2780, $0x38;
	[tilespmem:$0x6B80] =	vst v63  }
0x16: {  	_ =	swait.ge [sflag:s11], $0x2780  }
0x17: {  	[sflag:s11] =	ssyncset.done $0x0  }
0x18: {  	s17 =	simm.s32 $0x0;
	s30 =	simm.s32 $0x2780;
	[sflag:s11] =	ssyncadd.s32 $0xFFFFD880  }
0x19: {  	[tilespmem:s30], [sflag:$0x2] =	stream.linear.gather [hbm4b:s6+s17], $0x1400, $0x38;
	[tilespmem:$0x6B80] =	vst v63  }
0x1a: {  	_ =	swait.ge [sflag:s11], $0x1400  }
0x1b: {  	[sflag:s11] =	ssyncset.done $0x0  }
0x1c: {  	[sflag:s11] =	ssyncadd.s32 $0xFFFFEC00  }
0x1d: {  	s31 =	sadd.s32 $0x0, s9;
	[bflag:$0x0] =	sbarrier.arrive $0xFFFF  }
0x1e: {  	[tilespmem:s12], [sflag:$0x2] =	stream.linear.gather [hbm4b:s31+s3], $0x80, $0x38;
	[tilespmem:$0x6B80] =	vst v63  }
0x1f: {  	_ =	swait.ge [sflag:s11], $0x80  }
0x20: {  	[sflag:s11] =	ssyncset.done $0x0  }
0x21: {  	[sflag:s11] =	ssyncadd.s32 $0xFFFFFF80  }
0x22: {  	[tilespmem:s14], [sflag:$0x1] =	stream.indirect.gather [hbm4b:s4+s13], $0x10, s30, s13, $0xb8;
	[tilespmem:$0x6B80] =	vst v63  }
0x23: {  	_ =	swait.ge [sflag:s15], $0x800  }
0x24: {  	[sflag:s15] =	ssyncset.done $0x0  }
0x25: {  	[sflag:s15] =	ssyncadd.s32 $0xFFFFF800  }
0x26: {  	[spmem:s2] =	stream.indirect.scatter.add.f32 [tilespmem:s14], [sflag:$0x2], $0x10, s12, s13, $0xb8;
	[tilespmem:$0x6B80] =	vst v63  }
0x27: {  	s18 =	simm.s32 $0x10;
	_ =	swait.ge [sflag:s11], $0x800  }
0x28: {  	s19 =	simm.s32 $0x20;
	s17 =	simm.s32 $0x2800;
	[sflag:s11] =	ssyncset.done $0x0  }
.LBB2_4:
0x29: {  	s20 =	sadd.s32 s18, s9  }
0x2a: {  	[sflag:s11] =	ssyncadd.s32 $0xFFFFF800;
	s18 =	smov.u32 s19;
	s21 =	sadd.s32 $0x10, s19  }
0x2b: {  	[tilespmem:s12], [sflag:$0x2] =	stream.linear.gather [hbm4b:s20+s3], $0x80, $0x38;
	[tilespmem:$0x6B80] =	vst v63  }
0x2c: {  	p0 =	sne.s32 s19, $0x270;
	_ =	swait.ge [sflag:s11], $0x80  }
0x2d: {  	[sflag:s11] =	ssyncset.done $0x0  }
0x2e: {  	[sflag:s11] =	ssyncadd.s32 $0xFFFFFF80  }
0x2f: {  	[tilespmem:s14], [sflag:$0x1] =	stream.indirect.gather [hbm4b:s4+s13], $0x10, s17, s13, $0xb8;
	[tilespmem:$0x6B80] =	vst v63  }
0x30: {  	_ =	swait.ge [sflag:s15], $0x800  }
.Ltmp1:
0x31: {  	[sflag:s15] =	ssyncset.done $0x0;
	(pc) =	sbr.rel @p0 .LBB2_4-.Ltmp1, $4  }
0x32: {  	[sflag:s15] =	ssyncadd.s32 $0xFFFFF800  }
0x33: {  	[spmem:s2] =	stream.indirect.scatter.add.f32 [tilespmem:s14], [sflag:$0x2], $0x10, s12, s13, $0xb8;
	[tilespmem:$0x6B80] =	vst v63  }
0x34: {  	_ =	swait.ge [sflag:s11], $0x800  }
0x35: {  	s19 =	smov.u32 s21;
	s17 =	sadd.s32 $0x80, s17;
	[sflag:s11] =	ssyncset.done $0x0  }
0x36: {  	s18 =	sadd.s32 s18, s9;
	[sflag:s11] =	ssyncadd.s32 $0xFFFFF800  }
0x37: {  	[tilespmem:s12], [sflag:$0x2] =	stream.linear.gather [hbm4b:s18+s3], $0x80, $0x38;
	[tilespmem:$0x6B80] =	vst v63  }
0x38: {  	_ =	swait.ge [sflag:s11], $0x80  }
0x39: {  	[sflag:s11] =	ssyncset.done $0x0  }
0x3a: {  	[sflag:s11] =	ssyncadd.s32 $0xFFFFFF80  }
0x3b: {  	[tilespmem:s14], [sflag:$0x1] =	stream.indirect.gather [hbm4b:s4+s13], $0x10, s17, s13, $0xb8;
	[tilespmem:$0x6B80] =	vst v63  }
0x3c: {  	_ =	swait.ge [sflag:s15], $0x800  }
0x3d: {  	[sflag:s15] =	ssyncset.done $0x0  }
0x3e: {  	[sflag:s15] =	ssyncadd.s32 $0xFFFFF800  }
0x3f: {  	[spmem:s2] =	stream.indirect.scatter.add.f32 [tilespmem:s14], [sflag:$0x2], $0x10, s12, s13, $0xb8;
	[tilespmem:$0x6B80] =	vst v63  }
0x40: {  	_ =	swait.ge [sflag:s11], $0x800  }
0x41: {  	[sflag:s11] =	ssyncset.done $0x0  }
0x42: {  	[sflag:s11] =	ssyncadd.s32 $0xFFFFF800  }
0x43: {  	[bflag:$0x0] =	sbarrier.arrive $0xFFFF  }
0x44: {  	[tilespmem:s10], [sflag:$0x2] =	stream.linear.gather [spmem:s5], $0x2780, $0x38;
	[tilespmem:$0x6B80] =	vst v63  }
0x45: {  	s16 =	sadd.s32 $0x1, s16;
	_ =	swait.ge [sflag:s11], $0x2780  }
0x46: {  	p0 =	sne.s32 s16, s8;
	[sflag:s11] =	ssyncset.done $0x0  }
.Ltmp2:
0x47: {  	[sflag:s11] =	ssyncadd.s32 $0xFFFFD880;
	(pc) =	sbr.rel @p0 .LBB2_1-.Ltmp2, $4  }
0x48: {  	[hbm4b:s7+s3] =	stream.linear.scatter [tilespmem:s10], [sflag:$0x2], $0x2780, $0x38;
	[tilespmem:$0x6B80] =	vst v63  }
0x49: {  	_ =	swait.ge [sflag:s11], $0x2780  }
0x4a: {  	[sflag:s11] =	ssyncset.done $0x0  }
0x4b: {  	[sflag:s11] =	ssyncadd.s32 $0xFFFFD880  }
0x4c: {  	_ =	sfence.sel $0x180000  }
0x4d: {  	[bflag:$0x0] =	sbarrier.arrive $0xFFFF  }
0x4e: {  	p0 =	sne.s32 s0, $0x0;
	_ =	strace $0x90000050  }
0x4f: {  	s0 =	sadd.s32 @!p0 $0x100000, s1;
	[bflag:$0x2] =	sbarrier.arrive $0xFFFF  }
0x50: {  	[sflag:s0] =	ssyncadd.tile.s32 @!p0 $0x1;
	_ =	shalt  }
.Lfunc_end2:
_tile_overlayer_lowered:
.L_overlay_start_2:
0x51: {  	(tag) =	ssettag $0x2  }
0x52: {  	s0 =	rddreg [dreg:$0x0];
	s2 =	stileid.u32  }
0x53: {  	s1 =	rddreg [dreg:$0x1];
	p0 =	sne.s32 s2, $0x0  }
0x54: {  	s3 =	rddreg [dreg:$0x2];
	[bflag:$0x3] =	sbarrier.arrive $0xFFFF;
	s2 =	simm.s32 @!p0 $0x1C02  }
0x55: {  	[timem:s3], [sflag:s2] =	dma.local @!p0 [hbm:s0], s1  }
0x56: {  	s0 =	simm.s32 @!p0 $0x2  }
0x57: {  	_ =	swait.ge @!p0 [sflag:s0], s1  }
0x58: {  	s1 =	ssub.s32 @!p0 $0x0, s1;
	[sflag:s0] =	ssyncset.done @!p0 $0x0  }
0x59: {  	[sflag:s0] =	ssyncadd.s32 @!p0 s1  }
0x5a: {  	[bflag:$0x3] =	sbarrier.arrive $0xFFFF  }
0x5b: {  	_ =	shalt  }

</sc_bundles>
